<compile_context>
chip_gen: v7x
topology: tpu7x:2x2x1
jax: 0.10.2.dev20260603
libtpu: 0.0.44.dev20260713+nightly
codegen_flags: <defaults>
</compile_context>

<pallas_src>
import functools

import jax
import jax.numpy as jnp
from jax import lax
from jax.experimental import pallas as pl
from jax.experimental.pallas import tpu as pltpu
from jax.experimental.pallas import tpu_sc as plsc

IN_DIM = 4096
OUT_DIM = 4096
BATCH = 64
NQ = 4
NG = 8
GROWS = IN_DIM // NG
QROWS = BATCH // NQ
CH = 4096
LANES = 16


def _sc_body(k_hbm, w_hbm, xt_hbm, z_hbm, off_hbm, out_hbm,
             xqt, acc, kb, wbuf, offv):
    cidx = lax.axis_index("c")
    sidx = lax.axis_index("s")
    wid = sidx * 2 + cidx
    q = wid & 3
    g = wid >> 2
    g512 = g * GROWS

    pltpu.sync_copy(xt_hbm.at[pl.ds(g512, GROWS), pl.ds(q * QROWS, QROWS)], xqt)
    pltpu.sync_copy(z_hbm, acc)
    pltpu.sync_copy(off_hbm, offv)

    iota = lax.iota(jnp.int32, LANES)
    ov = offv[...]
    s0 = jnp.sum(jnp.where(iota == g, ov, 0))
    s1 = jnp.sum(jnp.where(iota == g + 1, ov, 0))
    k0 = s0 // CH
    k1 = (s1 + CH - 1) // CH

    def chunk_body(i, carry):
        pltpu.sync_copy(k_hbm.at[pl.ds(i * CH, CH)], kb)
        pltpu.sync_copy(w_hbm.at[pl.ds(i * CH, CH)], wbuf)
        base_i = i * CH

        @plsc.parallel_loop(0, CH // LANES, unroll=4)
        def group_body(j):
            sl = pl.ds(j * LANES, LANES)
            kv = kb[sl]
            wv = wbuf[sl]
            rv = jnp.right_shift(kv, 12)
            cv = jnp.bitwise_and(kv, OUT_DIM - 1)
            posv = base_i + j * LANES + iota
            valid = (posv >= s0) & (posv < s1)
            wvm = jnp.where(valid, wv, 0.0)
            rlv = jnp.where(valid, rv - g512, 0)
            for l in range(LANES):
                xrow = xqt[rlv[l], :]
                plsc.addupdate(acc.at[cv[l]], xrow * wvm[l])
        return carry
    lax.fori_loop(k0, k1, chunk_body, 0)

    pltpu.sync_copy(acc, out_hbm.at[g, :, pl.ds(q * QROWS, QROWS)])


def _make_sc_kernel(interpret=False):
    mesh = plsc.VectorSubcoreMesh(core_axis_name="c", subcore_axis_name="s")
    return functools.partial(
        pl.kernel,
        out_type=jax.ShapeDtypeStruct((NG, OUT_DIM, BATCH), jnp.float32),
        mesh=mesh,
        scratch_types=[
            pltpu.VMEM((GROWS, QROWS), jnp.float32),
            pltpu.VMEM((OUT_DIM, QROWS), jnp.float32),
            pltpu.VMEM((CH,), jnp.int32),
            pltpu.VMEM((CH,), jnp.float32),
            pltpu.VMEM((16,), jnp.int32),
        ],
        compiler_params=pltpu.CompilerParams(use_tc_tiling_on_sc=False,
                                             needs_layout_passes=False),
        interpret=interpret,
    )(_sc_body)


def kernel(x, weights, bias, nonzero_indices):
    nnz = weights.shape[0]
    r = nonzero_indices[:, 0].astype(jnp.int32)
    c = nonzero_indices[:, 1].astype(jnp.int32)
    rkey = r * OUT_DIM + c
    ks, ws = lax.sort((rkey, weights), num_keys=1, is_stable=False)
    keep = jnp.concatenate([ks[1:] != ks[:-1], jnp.ones((1,), bool)])
    ws = jnp.where(keep, ws, 0.0)
    offs = jnp.searchsorted(ks, jnp.arange(0, NG + 1, dtype=jnp.int32) * (GROWS * OUT_DIM))
    offs16 = jnp.zeros((16,), jnp.int32).at[:NG + 1].set(offs.astype(jnp.int32))
    nnz_pad = ((nnz + CH - 1) // CH) * CH
    padn = nnz_pad - nnz
    ks = jnp.pad(ks, (0, padn))
    ws = jnp.pad(ws, (0, padn))
    zeros = jnp.zeros((OUT_DIM, QROWS), jnp.float32)
    parts = _make_sc_kernel()(ks, ws, x.T, zeros, offs16)
    out_t = parts.sum(axis=0)
    return out_t.T + bias[None, :]

# --- scband reference (transcript-rebuilt; emitter-appended) ---
"""Pipeline reference for scband-sparse-layer-3410204033732 (READ-ONLY COPY).

The authoritative reference and input builder live on the scoring server;
editing this copy changes nothing except your own understanding.
"""

import jax, jax.numpy as jnp
import numpy as np

IN_DIM = 4096
OUT_DIM = 4096
BATCH = 64
DENSITY = 0.01
NNZ = int(IN_DIM * OUT_DIM * DENSITY)  # 167772


def setup_inputs(seed: int = 0) -> dict:
    key = jax.random.key(seed)
    k1, k2, k3, k4, k5 = jax.random.split(key, 5)
    x = jax.random.normal(k1, (BATCH, IN_DIM), dtype=jnp.float32)
    rows = jax.random.randint(k2, (NNZ,), 0, IN_DIM)
    cols = jax.random.randint(k3, (NNZ,), 0, OUT_DIM)
    nonzero_indices = jnp.stack([rows, cols], axis=1).astype(jnp.int64)
    # learned params per __init__: weights ~ N(0,1) over nnz, bias ~ N(0,0.1) over out_dim
    weights = jax.random.normal(k4, (NNZ,), dtype=jnp.float32)
    bias = jax.random.normal(k5, (OUT_DIM,), dtype=jnp.float32) * 0.1
    return {"x": x, "weights": weights, "bias": bias, "nonzero_indices": nonzero_indices}


def reference(x, weights, bias, nonzero_indices):
    # scatter_nd: densify the sparse connectivity into a [in, out] weight matrix
    sparse_tensor = jnp.zeros((IN_DIM, OUT_DIM), dtype=weights.dtype).at[
        nonzero_indices[:, 0], nonzero_indices[:, 1]
    ].set(weights)
    out = x @ sparse_tensor
    out = out + bias
    return out

if __name__ == "__main__":
    import jax
    _d = setup_inputs()
    print(jax.jit(kernel)(*tuple(_d.values())))

</pallas_src>

<mosaic_0001>
#map = affine_map<(d0, d1) -> (0)>
#map1 = affine_map<(d0, d1) -> (0, 0)>
#map2 = affine_map<(d0, d1) -> (0, 0, 0)>
module attributes {stable_mosaic.version = 14 : i64} {
  func.func @_sc_body(%arg0: i32, %arg1: i32, %arg2: memref<167936xi32, #tpu.memory_space<hbm>>, %arg3: memref<167936xf32, #tpu.memory_space<hbm>>, %arg4: memref<4096x64xf32, #tpu.memory_space<hbm>>, %arg5: memref<4096x16xf32, #tpu.memory_space<hbm>>, %arg6: memref<16xi32, #tpu.memory_space<hbm>>, %arg7: memref<8x4096x64xf32, #tpu.memory_space<hbm>>, %arg8: memref<512x16xf32, #tpu.memory_space<vmem>>, %arg9: memref<4096x16xf32, #tpu.memory_space<vmem>>, %arg10: memref<4096xi32, #tpu.memory_space<vmem>>, %arg11: memref<4096xf32, #tpu.memory_space<vmem>>, %arg12: memref<16xi32, #tpu.memory_space<vmem>>) attributes {dimension_semantics = [#tpu.dimension_semantics<core_parallel>, #tpu.dimension_semantics<subcore_parallel>], iteration_bounds = array<i64: 2, 16>, scalar_prefetch = 0 : i64, scratch_operands = 5 : i64, tpu.core_type = #tpu.core_type<sc_vector_subcore>, window_params = [{transform_indices = #map}, {transform_indices = #map}, {transform_indices = #map1}, {transform_indices = #map1}, {transform_indices = #map}, {transform_indices = #map2}]} {
    %mul3A = arith.constant 2 : i32
    %mul3A_0 = arith.muli %arg1, %mul3A : i32
    %add3A = arith.addi %mul3A_0, %arg0 : i32
    %and3A = arith.constant 3 : i32
    %and3A_1 = arith.andi %add3A, %and3A : i32
    %shift_right_arithmetic3A = arith.constant 2 : i32
    %shift_right_arithmetic3A_2 = arith.shrsi %add3A, %shift_right_arithmetic3A : i32
    %mul3A_3 = arith.constant 512 : i32
    %mul3A_4 = arith.muli %shift_right_arithmetic3A_2, %mul3A_3 : i32
    %mul3A_5 = arith.constant 16 : i32
    %mul3A_6 = arith.muli %and3A_1, %mul3A_5 : i32
    "tpu.region"() ({
      %run_scoped3A = tpu.sem_alloc : memref<!tpu.dma_semaphore, #tpu.memory_space<semaphore_mem>>
      %dma_start3A = tpu.memref_slice %arg4[%mul3A_4, %mul3A_6] : memref<4096x64xf32, #tpu.memory_space<hbm>> -> memref<512x16xf32, #tpu.memory_space<hbm>>
      %dma_start3A_80 = tpu.memref_slice %arg4[%mul3A_4, %mul3A_6] : memref<4096x64xf32, #tpu.memory_space<hbm>> -> memref<512x16xf32, #tpu.memory_space<hbm>>
      tpu.enqueue_dma source(%dma_start3A_80 : memref<512x16xf32, #tpu.memory_space<hbm>>) target(%arg8 : memref<512x16xf32, #tpu.memory_space<vmem>>) target_semaphore(%run_scoped3A : memref<!tpu.dma_semaphore, #tpu.memory_space<semaphore_mem>>)
      %dma_wait3A = tpu.memref_slice %arg4[%mul3A_4, %mul3A_6] : memref<4096x64xf32, #tpu.memory_space<hbm>> -> memref<512x16xf32, #tpu.memory_space<hbm>>
      %dma_wait3A_81 = tpu.memref_slice %arg4[%mul3A_4, %mul3A_6] : memref<4096x64xf32, #tpu.memory_space<hbm>> -> memref<512x16xf32, #tpu.memory_space<hbm>>
      tpu.wait_dma2 semaphore(%run_scoped3A : memref<!tpu.dma_semaphore, #tpu.memory_space<semaphore_mem>>) src(%dma_wait3A_81 : memref<512x16xf32, #tpu.memory_space<hbm>>) dst(%arg8 : memref<512x16xf32, #tpu.memory_space<vmem>>)
      tpu.yield
    }) : () -> ()
    "tpu.region"() ({
      %run_scoped3A = tpu.sem_alloc : memref<!tpu.dma_semaphore, #tpu.memory_space<semaphore_mem>>
      tpu.enqueue_dma source(%arg5 : memref<4096x16xf32, #tpu.memory_space<hbm>>) target(%arg9 : memref<4096x16xf32, #tpu.memory_space<vmem>>) target_semaphore(%run_scoped3A : memref<!tpu.dma_semaphore, #tpu.memory_space<semaphore_mem>>)
      tpu.wait_dma2 semaphore(%run_scoped3A : memref<!tpu.dma_semaphore, #tpu.memory_space<semaphore_mem>>) src(%arg5 : memref<4096x16xf32, #tpu.memory_space<hbm>>) dst(%arg9 : memref<4096x16xf32, #tpu.memory_space<vmem>>)
      tpu.yield
    }) : () -> ()
    "tpu.region"() ({
      %run_scoped3A = tpu.sem_alloc : memref<!tpu.dma_semaphore, #tpu.memory_space<semaphore_mem>>
      tpu.enqueue_dma source(%arg6 : memref<16xi32, #tpu.memory_space<hbm>>) target(%arg12 : memref<16xi32, #tpu.memory_space<vmem>>) target_semaphore(%run_scoped3A : memref<!tpu.dma_semaphore, #tpu.memory_space<semaphore_mem>>)
      tpu.wait_dma2 semaphore(%run_scoped3A : memref<!tpu.dma_semaphore, #tpu.memory_space<semaphore_mem>>) src(%arg6 : memref<16xi32, #tpu.memory_space<hbm>>) dst(%arg12 : memref<16xi32, #tpu.memory_space<vmem>>)
      tpu.yield
    }) : () -> ()
    %iota3A = tpu.iota {dimensions = array<i32: 0>} : vector<16xi32>
    %get3A = arith.constant 0 : index
    %get3A_7 = tpu.vector_load %arg12[%get3A] {strides = array<i32>} : memref<16xi32, #tpu.memory_space<vmem>>, vector<16xi32>,
    %eq3A = vector.broadcast %shift_right_arithmetic3A_2 : i32 to vector<16xi32>
    %eq3A_8 = arith.cmpi eq, %iota3A, %eq3A : vector<16xi32>
    %jit3A = arith.constant 0 : i32
    %broadcast_in_dim3A = vector.broadcast %jit3A : i32 to vector<16xi32>
    %select_n3A = arith.select %eq3A_8, %get3A_7, %broadcast_in_dim3A : vector<16xi1>, vector<16xi32>
    %reduce_sum3A = arith.constant true
    %reduce_sum3A_9 = vector.broadcast %reduce_sum3A : i1 to vector<16xi1>
    %reduce_sum3A_10 = tpu.scan <sum>, %select_n3A masked %reduce_sum3A_9 : vector<16xi32>, vector<16xi1> -> vector<16xi32>
    %reduce_sum3A_11 = vector.extract %reduce_sum3A_10[15] : i32 from vector<16xi32>
    %add3A_12 = arith.constant 1 : i32
    %add3A_13 = arith.addi %shift_right_arithmetic3A_2, %add3A_12 : i32
    %eq3A_14 = vector.broadcast %add3A_13 : i32 to vector<16xi32>
    %eq3A_15 = arith.cmpi eq, %iota3A, %eq3A_14 : vector<16xi32>
    %jit3A_16 = arith.constant 0 : i32
    %broadcast_in_dim3A_17 = vector.broadcast %jit3A_16 : i32 to vector<16xi32>
    %select_n3A_18 = arith.select %eq3A_15, %get3A_7, %broadcast_in_dim3A_17 : vector<16xi1>, vector<16xi32>
    %reduce_sum3A_19 = arith.constant true
    %reduce_sum3A_20 = vector.broadcast %reduce_sum3A_19 : i1 to vector<16xi1>
    %reduce_sum3A_21 = tpu.scan <sum>, %select_n3A_18 masked %reduce_sum3A_20 : vector<16xi32>, vector<16xi1> -> vector<16xi32>
    %reduce_sum3A_22 = vector.extract %reduce_sum3A_21[15] : i32 from vector<16xi32>
    %jit3A_23 = arith.constant 4096 : i32
    %div3A = arith.divsi %reduce_sum3A_11, %jit3A_23 : i32
    %sign3A = arith.constant 0 : i32
    %sign3A_24 = arith.cmpi sgt, %reduce_sum3A_11, %sign3A : i32
    %sign3A_25 = arith.extui %sign3A_24 : i1 to i32
    %sign3A_26 = arith.constant 0 : i32
    %sign3A_27 = arith.cmpi slt, %reduce_sum3A_11, %sign3A_26 : i32
    %sign3A_28 = arith.extui %sign3A_27 : i1 to i32
    %sign3A_29 = arith.subi %sign3A_25, %sign3A_28 : i32
    %sign3A_30 = arith.constant 0 : i32
    %sign3A_31 = arith.cmpi sgt, %jit3A_23, %sign3A_30 : i32
    %sign3A_32 = arith.extui %sign3A_31 : i1 to i32
    %sign3A_33 = arith.constant 0 : i32
    %sign3A_34 = arith.cmpi slt, %jit3A_23, %sign3A_33 : i32
    %sign3A_35 = arith.extui %sign3A_34 : i1 to i32
    %sign3A_36 = arith.subi %sign3A_32, %sign3A_35 : i32
    %ne3A = arith.cmpi ne, %sign3A_29, %sign3A_36 : i32
    %rem3A = arith.remsi %reduce_sum3A_11, %jit3A_23 : i32
    %ne3A_37 = arith.constant 0 : i32
    %ne3A_38 = arith.cmpi ne, %rem3A, %ne3A_37 : i32
    %and3A_39 = arith.andi %ne3A, %ne3A_38 : i1
    %sub3A = arith.constant 1 : i32
    %sub3A_40 = arith.subi %div3A, %sub3A : i32
    %select_n3A_41 = arith.select %and3A_39, %sub3A_40, %div3A : i32
    %add3A_42 = arith.constant 4096 : i32
    %add3A_43 = arith.addi %reduce_sum3A_22, %add3A_42 : i32
    %sub3A_44 = arith.constant 1 : i32
    %sub3A_45 = arith.subi %add3A_43, %sub3A_44 : i32
    %jit3A_46 = arith.constant 4096 : i32
    %div3A_47 = arith.divsi %sub3A_45, %jit3A_46 : i32
    %sign3A_48 = arith.constant 0 : i32
    %sign3A_49 = arith.cmpi sgt, %sub3A_45, %sign3A_48 : i32
    %sign3A_50 = arith.extui %sign3A_49 : i1 to i32
    %sign3A_51 = arith.constant 0 : i32
    %sign3A_52 = arith.cmpi slt, %sub3A_45, %sign3A_51 : i32
    %sign3A_53 = arith.extui %sign3A_52 : i1 to i32
    %sign3A_54 = arith.subi %sign3A_50, %sign3A_53 : i32
    %sign3A_55 = arith.constant 0 : i32
    %sign3A_56 = arith.cmpi sgt, %jit3A_46, %sign3A_55 : i32
    %sign3A_57 = arith.extui %sign3A_56 : i1 to i32
    %sign3A_58 = arith.constant 0 : i32
    %sign3A_59 = arith.cmpi slt, %jit3A_46, %sign3A_58 : i32
    %sign3A_60 = arith.extui %sign3A_59 : i1 to i32
    %sign3A_61 = arith.subi %sign3A_57, %sign3A_60 : i32
    %ne3A_62 = arith.cmpi ne, %sign3A_54, %sign3A_61 : i32
    %rem3A_63 = arith.remsi %sub3A_45, %jit3A_46 : i32
    %ne3A_64 = arith.constant 0 : i32
    %ne3A_65 = arith.cmpi ne, %rem3A_63, %ne3A_64 : i32
    %and3A_66 = arith.andi %ne3A_62, %ne3A_65 : i1
    %sub3A_67 = arith.constant 1 : i32
    %sub3A_68 = arith.subi %div3A_47, %sub3A_67 : i32
    %select_n3A_69 = arith.select %and3A_66, %sub3A_68, %div3A_47 : i32
    %while3A = arith.constant 0 : i32
    %while3A_70 = arith.subi %select_n3A_69, %select_n3A_41 : i32
    %while3A_71 = arith.addi %select_n3A_41, %while3A_70 : i32
    %while3A_72 = arith.constant 1 : i32
    %while3A_73 = arith.divsi %while3A_70, %while3A_72 : i32
    %while3A_74 = arith.muli %while3A_73, %while3A_72 : i32
    %while3A_75 = arith.addi %select_n3A_41, %while3A_74 : i32
    %while3A_76 = arith.constant 1 : i32
    scf.for %while3A_80 = %select_n3A_41 to %while3A_75 step %while3A_76  : i32 {
      %mul3A_81 = arith.constant 4096 : i32
      %mul3A_82 = arith.muli %while3A_80, %mul3A_81 : i32
      "tpu.region"() ({
        %run_scoped3A = tpu.sem_alloc : memref<!tpu.dma_semaphore, #tpu.memory_space<semaphore_mem>>
        %dma_start3A = tpu.memref_slice %arg2[%mul3A_82] : memref<167936xi32, #tpu.memory_space<hbm>> -> memref<4096xi32, #tpu.memory_space<hbm>>
        %dma_start3A_89 = tpu.memref_slice %arg2[%mul3A_82] : memref<167936xi32, #tpu.memory_space<hbm>> -> memref<4096xi32, #tpu.memory_space<hbm>>
        tpu.enqueue_dma source(%dma_start3A_89 : memref<4096xi32, #tpu.memory_space<hbm>>) target(%arg10 : memref<4096xi32, #tpu.memory_space<vmem>>) target_semaphore(%run_scoped3A : memref<!tpu.dma_semaphore, #tpu.memory_space<semaphore_mem>>)
        %dma_wait3A = tpu.memref_slice %arg2[%mul3A_82] : memref<167936xi32, #tpu.memory_space<hbm>> -> memref<4096xi32, #tpu.memory_space<hbm>>
        %dma_wait3A_90 = tpu.memref_slice %arg2[%mul3A_82] : memref<167936xi32, #tpu.memory_space<hbm>> -> memref<4096xi32, #tpu.memory_space<hbm>>
        tpu.wait_dma2 semaphore(%run_scoped3A : memref<!tpu.dma_semaphore, #tpu.memory_space<semaphore_mem>>) src(%dma_wait3A_90 : memref<4096xi32, #tpu.memory_space<hbm>>) dst(%arg10 : memref<4096xi32, #tpu.memory_space<vmem>>)
        tpu.yield
      }) : () -> ()
      %mul3A_83 = arith.constant 4096 : i32
      %mul3A_84 = arith.muli %while3A_80, %mul3A_83 : i32
      "tpu.region"() ({
        %run_scoped3A = tpu.sem_alloc : memref<!tpu.dma_semaphore, #tpu.memory_space<semaphore_mem>>
        %dma_start3A = tpu.memref_slice %arg3[%mul3A_84] : memref<167936xf32, #tpu.memory_space<hbm>> -> memref<4096xf32, #tpu.memory_space<hbm>>
        %dma_start3A_89 = tpu.memref_slice %arg3[%mul3A_84] : memref<167936xf32, #tpu.memory_space<hbm>> -> memref<4096xf32, #tpu.memory_space<hbm>>
        tpu.enqueue_dma source(%dma_start3A_89 : memref<4096xf32, #tpu.memory_space<hbm>>) target(%arg11 : memref<4096xf32, #tpu.memory_space<vmem>>) target_semaphore(%run_scoped3A : memref<!tpu.dma_semaphore, #tpu.memory_space<semaphore_mem>>)
        %dma_wait3A = tpu.memref_slice %arg3[%mul3A_84] : memref<167936xf32, #tpu.memory_space<hbm>> -> memref<4096xf32, #tpu.memory_space<hbm>>
        %dma_wait3A_90 = tpu.memref_slice %arg3[%mul3A_84] : memref<167936xf32, #tpu.memory_space<hbm>> -> memref<4096xf32, #tpu.memory_space<hbm>>
        tpu.wait_dma2 semaphore(%run_scoped3A : memref<!tpu.dma_semaphore, #tpu.memory_space<semaphore_mem>>) src(%dma_wait3A_90 : memref<4096xf32, #tpu.memory_space<hbm>>) dst(%arg11 : memref<4096xf32, #tpu.memory_space<vmem>>)
        tpu.yield
      }) : () -> ()
      %mul3A_85 = arith.constant 4096 : i32
      %mul3A_86 = arith.muli %while3A_80, %mul3A_85 : i32
      %parallel_loop3A = arith.constant 0 : i32
      %parallel_loop3A_87 = arith.constant 256 : i32
      %parallel_loop3A_88 = arith.constant 1 : i32
      scf.for %parallel_loop3A_89 = %parallel_loop3A to %parallel_loop3A_87 step %parallel_loop3A_88  : i32 {
        %parallel_loop3A_90 = arith.constant 16 : i32
        %parallel_loop3A_91 = arith.muli %parallel_loop3A_89, %parallel_loop3A_90 : i32
        %parallel_loop3A_92 = arith.index_cast %parallel_loop3A_91 : i32 to index
        %parallel_loop3A_93 = tpu.vector_load %arg10[%parallel_loop3A_92] {strides = array<i32>} : memref<4096xi32, #tpu.memory_space<vmem>>, vector<16xi32>,
        %parallel_loop3A_94 = arith.index_cast %parallel_loop3A_91 : i32 to index
        %parallel_loop3A_95 = tpu.vector_load %arg11[%parallel_loop3A_94] {strides = array<i32>} : memref<4096xf32, #tpu.memory_space<vmem>>, vector<16xf32>,
        %parallel_loop3A_96 = arith.constant 12 : i32
        %parallel_loop3A_97 = vector.broadcast %parallel_loop3A_96 : i32 to vector<16xi32>
        %parallel_loop3A_98 = arith.shrsi %parallel_loop3A_93, %parallel_loop3A_97 : vector<16xi32>
        %parallel_loop3A_99 = arith.constant 4095 : i32
        %parallel_loop3A_100 = vector.broadcast %parallel_loop3A_99 : i32 to vector<16xi32>
        %parallel_loop3A_101 = arith.andi %parallel_loop3A_93, %parallel_loop3A_100 : vector<16xi32>
        %parallel_loop3A_102 = arith.constant 16 : i32
        %parallel_loop3A_103 = arith.muli %parallel_loop3A_89, %parallel_loop3A_102 : i32
        %parallel_loop3A_104 = arith.addi %mul3A_86, %parallel_loop3A_103 : i32
        %parallel_loop3A_105 = vector.broadcast %parallel_loop3A_104 : i32 to vector<16xi32>
        %parallel_loop3A_106 = arith.addi %parallel_loop3A_105, %iota3A : vector<16xi32>
        %parallel_loop3A_107 = vector.broadcast %reduce_sum3A_11 : i32 to vector<16xi32>
        %parallel_loop3A_108 = arith.cmpi sge, %parallel_loop3A_106, %parallel_loop3A_107 : vector<16xi32>
        %parallel_loop3A_109 = vector.broadcast %reduce_sum3A_22 : i32 to vector<16xi32>
        %parallel_loop3A_110 = arith.cmpi slt, %parallel_loop3A_106, %parallel_loop3A_109 : vector<16xi32>
        %parallel_loop3A_111 = arith.andi %parallel_loop3A_108, %parallel_loop3A_110 : vector<16xi1>
        %parallel_loop3A_112 = arith.constant 0.000000e+00 : f32
        %parallel_loop3A_113 = vector.broadcast %parallel_loop3A_112 : f32 to vector<16xf32>
        %parallel_loop3A_114 = arith.select %parallel_loop3A_111, %parallel_loop3A_95, %parallel_loop3A_113 : vector<16xi1>, vector<16xf32>
        %parallel_loop3A_115 = vector.broadcast %mul3A_4 : i32 to vector<16xi32>
        %parallel_loop3A_116 = arith.subi %parallel_loop3A_98, %parallel_loop3A_115 : vector<16xi32>
        %parallel_loop3A_117 = arith.constant 0 : i32
        %parallel_loop3A_118 = vector.broadcast %parallel_loop3A_117 : i32 to vector<16xi32>
        %parallel_loop3A_119 = arith.select %parallel_loop3A_111, %parallel_loop3A_116, %parallel_loop3A_118 : vector<16xi1>, vector<16xi32>
        %parallel_loop3A_120 = vector.extract_strided_slice %parallel_loop3A_119 {offsets = [0], sizes = [1], strides = [1]} : vector<16xi32> to vector<1xi32>
        %parallel_loop3A_121 = vector.extract %parallel_loop3A_120[0] : i32 from vector<1xi32>
        %parallel_loop3A_122 = arith.index_cast %parallel_loop3A_121 : i32 to index
        %parallel_loop3A_123 = arith.constant 0 : index
        %parallel_loop3A_124 = tpu.vector_load %arg8[%parallel_loop3A_122, %parallel_loop3A_123] {strides = array<i32>} : memref<512x16xf32, #tpu.memory_space<vmem>>, vector<16xf32>,
        %parallel_loop3A_125 = vector.extract_strided_slice %parallel_loop3A_101 {offsets = [0], sizes = [1], strides = [1]} : vector<16xi32> to vector<1xi32>
        %parallel_loop3A_126 = vector.extract %parallel_loop3A_125[0] : i32 from vector<1xi32>
        %parallel_loop3A_127 = vector.extract_strided_slice %parallel_loop3A_114 {offsets = [0], sizes = [1], strides = [1]} : vector<16xf32> to vector<1xf32>
        %parallel_loop3A_128 = vector.extract %parallel_loop3A_127[0] : f32 from vector<1xf32>
        %parallel_loop3A_129 = vector.broadcast %parallel_loop3A_128 : f32 to vector<16xf32>
        %parallel_loop3A_130 = arith.mulf %parallel_loop3A_124, %parallel_loop3A_129 : vector<16xf32>
        %parallel_loop3A_131 = arith.index_cast %parallel_loop3A_126 : i32 to index
        %parallel_loop3A_132 = arith.constant 0 : index
        %parallel_loop3A_133 = tpu.vector_load %arg9[%parallel_loop3A_131, %parallel_loop3A_132] {strides = array<i32>} : memref<4096x16xf32, #tpu.memory_space<vmem>>, vector<16xf32>,
        tpu.vector_store %arg9[%parallel_loop3A_131, %parallel_loop3A_132], %parallel_loop3A_130 {add = true, strides = array<i32>} : memref<4096x16xf32, #tpu.memory_space<vmem>>, vector<16xf32>,
        %parallel_loop3A_134 = vector.extract_strided_slice %parallel_loop3A_119 {offsets = [1], sizes = [1], strides = [1]} : vector<16xi32> to vector<1xi32>
        %parallel_loop3A_135 = vector.extract %parallel_loop3A_134[0] : i32 from vector<1xi32>
        %parallel_loop3A_136 = arith.index_cast %parallel_loop3A_135 : i32 to index
        %parallel_loop3A_137 = arith.constant 0 : index
        %parallel_loop3A_138 = tpu.vector_load %arg8[%parallel_loop3A_136, %parallel_loop3A_137] {strides = array<i32>} : memref<512x16xf32, #tpu.memory_space<vmem>>, vector<16xf32>,
        %parallel_loop3A_139 = vector.extract_strided_slice %parallel_loop3A_101 {offsets = [1], sizes = [1], strides = [1]} : vector<16xi32> to vector<1xi32>
        %parallel_loop3A_140 = vector.extract %parallel_loop3A_139[0] : i32 from vector<1xi32>
        %parallel_loop3A_141 = vector.extract_strided_slice %parallel_loop3A_114 {offsets = [1], sizes = [1], strides = [1]} : vector<16xf32> to vector<1xf32>
        %parallel_loop3A_142 = vector.extract %parallel_loop3A_141[0] : f32 from vector<1xf32>
        %parallel_loop3A_143 = vector.broadcast %parallel_loop3A_142 : f32 to vector<16xf32>
        %parallel_loop3A_144 = arith.mulf %parallel_loop3A_138, %parallel_loop3A_143 : vector<16xf32>
        %parallel_loop3A_145 = arith.index_cast %parallel_loop3A_140 : i32 to index
        %parallel_loop3A_146 = arith.constant 0 : index
        %parallel_loop3A_147 = tpu.vector_load %arg9[%parallel_loop3A_145, %parallel_loop3A_146] {strides = array<i32>} : memref<4096x16xf32, #tpu.memory_space<vmem>>, vector<16xf32>,
        tpu.vector_store %arg9[%parallel_loop3A_145, %parallel_loop3A_146], %parallel_loop3A_144 {add = true, strides = array<i32>} : memref<4096x16xf32, #tpu.memory_space<vmem>>, vector<16xf32>,
        %parallel_loop3A_148 = vector.extract_strided_slice %parallel_loop3A_119 {offsets = [2], sizes = [1], strides = [1]} : vector<16xi32> to vector<1xi32>
        %parallel_loop3A_149 = vector.extract %parallel_loop3A_148[0] : i32 from vector<1xi32>
        %parallel_loop3A_150 = arith.index_cast %parallel_loop3A_149 : i32 to index
        %parallel_loop3A_151 = arith.constant 0 : index
        %parallel_loop3A_152 = tpu.vector_load %arg8[%parallel_loop3A_150, %parallel_loop3A_151] {strides = array<i32>} : memref<512x16xf32, #tpu.memory_space<vmem>>, vector<16xf32>,
        %parallel_loop3A_153 = vector.extract_strided_slice %parallel_loop3A_101 {offsets = [2], sizes = [1], strides = [1]} : vector<16xi32> to vector<1xi32>
        %parallel_loop3A_154 = vector.extract %parallel_loop3A_153[0] : i32 from vector<1xi32>
        %parallel_loop3A_155 = vector.extract_strided_slice %parallel_loop3A_114 {offsets = [2], sizes = [1], strides = [1]} : vector<16xf32> to vector<1xf32>
        %parallel_loop3A_156 = vector.extract %parallel_loop3A_155[0] : f32 from vector<1xf32>
        %parallel_loop3A_157 = vector.broadcast %parallel_loop3A_156 : f32 to vector<16xf32>
        %parallel_loop3A_158 = arith.mulf %parallel_loop3A_152, %parallel_loop3A_157 : vector<16xf32>
        %parallel_loop3A_159 = arith.index_cast %parallel_loop3A_154 : i32 to index
        %parallel_loop3A_160 = arith.constant 0 : index
        %parallel_loop3A_161 = tpu.vector_load %arg9[%parallel_loop3A_159, %parallel_loop3A_160] {strides = array<i32>} : memref<4096x16xf32, #tpu.memory_space<vmem>>, vector<16xf32>,
        tpu.vector_store %arg9[%parallel_loop3A_159, %parallel_loop3A_160], %parallel_loop3A_158 {add = true, strides = array<i32>} : memref<4096x16xf32, #tpu.memory_space<vmem>>, vector<16xf32>,
        %parallel_loop3A_162 = vector.extract_strided_slice %parallel_loop3A_119 {offsets = [3], sizes = [1], strides = [1]} : vector<16xi32> to vector<1xi32>
        %parallel_loop3A_163 = vector.extract %parallel_loop3A_162[0] : i32 from vector<1xi32>
        %parallel_loop3A_164 = arith.index_cast %parallel_loop3A_163 : i32 to index
        %parallel_loop3A_165 = arith.constant 0 : index
        %parallel_loop3A_166 = tpu.vector_load %arg8[%parallel_loop3A_164, %parallel_loop3A_165] {strides = array<i32>} : memref<512x16xf32, #tpu.memory_space<vmem>>, vector<16xf32>,
        %parallel_loop3A_167 = vector.extract_strided_slice %parallel_loop3A_101 {offsets = [3], sizes = [1], strides = [1]} : vector<16xi32> to vector<1xi32>
        %parallel_loop3A_168 = vector.extract %parallel_loop3A_167[0] : i32 from vector<1xi32>
        %parallel_loop3A_169 = vector.extract_strided_slice %parallel_loop3A_114 {offsets = [3], sizes = [1], strides = [1]} : vector<16xf32> to vector<1xf32>
        %parallel_loop3A_170 = vector.extract %parallel_loop3A_169[0] : f32 from vector<1xf32>
        %parallel_loop3A_171 = vector.broadcast %parallel_loop3A_170 : f32 to vector<16xf32>
        %parallel_loop3A_172 = arith.mulf %parallel_loop3A_166, %parallel_loop3A_171 : vector<16xf32>
        %parallel_loop3A_173 = arith.index_cast %parallel_loop3A_168 : i32 to index
        %parallel_loop3A_174 = arith.constant 0 : index
        %parallel_loop3A_175 = tpu.vector_load %arg9[%parallel_loop3A_173, %parallel_loop3A_174] {strides = array<i32>} : memref<4096x16xf32, #tpu.memory_space<vmem>>, vector<16xf32>,
        tpu.vector_store %arg9[%parallel_loop3A_173, %parallel_loop3A_174], %parallel_loop3A_172 {add = true, strides = array<i32>} : memref<4096x16xf32, #tpu.memory_space<vmem>>, vector<16xf32>,
        %parallel_loop3A_176 = vector.extract_strided_slice %parallel_loop3A_119 {offsets = [4], sizes = [1], strides = [1]} : vector<16xi32> to vector<1xi32>
        %parallel_loop3A_177 = vector.extract %parallel_loop3A_176[0] : i32 from vector<1xi32>
        %parallel_loop3A_178 = arith.index_cast %parallel_loop3A_177 : i32 to index
        %parallel_loop3A_179 = arith.constant 0 : index
        %parallel_loop3A_180 = tpu.vector_load %arg8[%parallel_loop3A_178, %parallel_loop3A_179] {strides = array<i32>} : memref<512x16xf32, #tpu.memory_space<vmem>>, vector<16xf32>,
        %parallel_loop3A_181 = vector.extract_strided_slice %parallel_loop3A_101 {offsets = [4], sizes = [1], strides = [1]} : vector<16xi32> to vector<1xi32>
        %parallel_loop3A_182 = vector.extract %parallel_loop3A_181[0] : i32 from vector<1xi32>
        %parallel_loop3A_183 = vector.extract_strided_slice %parallel_loop3A_114 {offsets = [4], sizes = [1], strides = [1]} : vector<16xf32> to vector<1xf32>
        %parallel_loop3A_184 = vector.extract %parallel_loop3A_183[0] : f32 from vector<1xf32>
        %parallel_loop3A_185 = vector.broadcast %parallel_loop3A_184 : f32 to vector<16xf32>
        %parallel_loop3A_186 = arith.mulf %parallel_loop3A_180, %parallel_loop3A_185 : vector<16xf32>
        %parallel_loop3A_187 = arith.index_cast %parallel_loop3A_182 : i32 to index
        %parallel_loop3A_188 = arith.constant 0 : index
        %parallel_loop3A_189 = tpu.vector_load %arg9[%parallel_loop3A_187, %parallel_loop3A_188] {strides = array<i32>} : memref<4096x16xf32, #tpu.memory_space<vmem>>, vector<16xf32>,
        tpu.vector_store %arg9[%parallel_loop3A_187, %parallel_loop3A_188], %parallel_loop3A_186 {add = true, strides = array<i32>} : memref<4096x16xf32, #tpu.memory_space<vmem>>, vector<16xf32>,
        %parallel_loop3A_190 = vector.extract_strided_slice %parallel_loop3A_119 {offsets = [5], sizes = [1], strides = [1]} : vector<16xi32> to vector<1xi32>
        %parallel_loop3A_191 = vector.extract %parallel_loop3A_190[0] : i32 from vector<1xi32>
        %parallel_loop3A_192 = arith.index_cast %parallel_loop3A_191 : i32 to index
        %parallel_loop3A_193 = arith.constant 0 : index
        %parallel_loop3A_194 = tpu.vector_load %arg8[%parallel_loop3A_192, %parallel_loop3A_193] {strides = array<i32>} : memref<512x16xf32, #tpu.memory_space<vmem>>, vector<16xf32>,
        %parallel_loop3A_195 = vector.extract_strided_slice %parallel_loop3A_101 {offsets = [5], sizes = [1], strides = [1]} : vector<16xi32> to vector<1xi32>
        %parallel_loop3A_196 = vector.extract %parallel_loop3A_195[0] : i32 from vector<1xi32>
        %parallel_loop3A_197 = vector.extract_strided_slice %parallel_loop3A_114 {offsets = [5], sizes = [1], strides = [1]} : vector<16xf32> to vector<1xf32>
        %parallel_loop3A_198 = vector.extract %parallel_loop3A_197[0] : f32 from vector<1xf32>
        %parallel_loop3A_199 = vector.broadcast %parallel_loop3A_198 : f32 to vector<16xf32>
        %parallel_loop3A_200 = arith.mulf %parallel_loop3A_194, %parallel_loop3A_199 : vector<16xf32>
        %parallel_loop3A_201 = arith.index_cast %parallel_loop3A_196 : i32 to index
        %parallel_loop3A_202 = arith.constant 0 : index
        %parallel_loop3A_203 = tpu.vector_load %arg9[%parallel_loop3A_201, %parallel_loop3A_202] {strides = array<i32>} : memref<4096x16xf32, #tpu.memory_space<vmem>>, vector<16xf32>,
        tpu.vector_store %arg9[%parallel_loop3A_201, %parallel_loop3A_202], %parallel_loop3A_200 {add = true, strides = array<i32>} : memref<4096x16xf32, #tpu.memory_space<vmem>>, vector<16xf32>,
        %parallel_loop3A_204 = vector.extract_strided_slice %parallel_loop3A_119 {offsets = [6], sizes = [1], strides = [1]} : vector<16xi32> to vector<1xi32>
        %parallel_loop3A_205 = vector.extract %parallel_loop3A_204[0] : i32 from vector<1xi32>
        %parallel_loop3A_206 = arith.index_cast %parallel_loop3A_205 : i32 to index
        %parallel_loop3A_207 = arith.constant 0 : index
        %parallel_loop3A_208 = tpu.vector_load %arg8[%parallel_loop3A_206, %parallel_loop3A_207] {strides = array<i32>} : memref<512x16xf32, #tpu.memory_space<vmem>>, vector<16xf32>,
        %parallel_loop3A_209 = vector.extract_strided_slice %parallel_loop3A_101 {offsets = [6], sizes = [1], strides = [1]} : vector<16xi32> to vector<1xi32>
        %parallel_loop3A_210 = vector.extract %parallel_loop3A_209[0] : i32 from vector<1xi32>
        %parallel_loop3A_211 = vector.extract_strided_slice %parallel_loop3A_114 {offsets = [6], sizes = [1], strides = [1]} : vector<16xf32> to vector<1xf32>
        %parallel_loop3A_212 = vector.extract %parallel_loop3A_211[0] : f32 from vector<1xf32>
        %parallel_loop3A_213 = vector.broadcast %parallel_loop3A_212 : f32 to vector<16xf32>
        %parallel_loop3A_214 = arith.mulf %parallel_loop3A_208, %parallel_loop3A_213 : vector<16xf32>
        %parallel_loop3A_215 = arith.index_cast %parallel_loop3A_210 : i32 to index
        %parallel_loop3A_216 = arith.constant 0 : index
        %parallel_loop3A_217 = tpu.vector_load %arg9[%parallel_loop3A_215, %parallel_loop3A_216] {strides = array<i32>} : memref<4096x16xf32, #tpu.memory_space<vmem>>, vector<16xf32>,
        tpu.vector_store %arg9[%parallel_loop3A_215, %parallel_loop3A_216], %parallel_loop3A_214 {add = true, strides = array<i32>} : memref<4096x16xf32, #tpu.memory_space<vmem>>, vector<16xf32>,
        %parallel_loop3A_218 = vector.extract_strided_slice %parallel_loop3A_119 {offsets = [7], sizes = [1], strides = [1]} : vector<16xi32> to vector<1xi32>
        %parallel_loop3A_219 = vector.extract %parallel_loop3A_218[0] : i32 from vector<1xi32>
        %parallel_loop3A_220 = arith.index_cast %parallel_loop3A_219 : i32 to index
        %parallel_loop3A_221 = arith.constant 0 : index
        %parallel_loop3A_222 = tpu.vector_load %arg8[%parallel_loop3A_220, %parallel_loop3A_221] {strides = array<i32>} : memref<512x16xf32, #tpu.memory_space<vmem>>, vector<16xf32>,
        %parallel_loop3A_223 = vector.extract_strided_slice %parallel_loop3A_101 {offsets = [7], sizes = [1], strides = [1]} : vector<16xi32> to vector<1xi32>
        %parallel_loop3A_224 = vector.extract %parallel_loop3A_223[0] : i32 from vector<1xi32>
        %parallel_loop3A_225 = vector.extract_strided_slice %parallel_loop3A_114 {offsets = [7], sizes = [1], strides = [1]} : vector<16xf32> to vector<1xf32>
        %parallel_loop3A_226 = vector.extract %parallel_loop3A_225[0] : f32 from vector<1xf32>
        %parallel_loop3A_227 = vector.broadcast %parallel_loop3A_226 : f32 to vector<16xf32>
        %parallel_loop3A_228 = arith.mulf %parallel_loop3A_222, %parallel_loop3A_227 : vector<16xf32>
        %parallel_loop3A_229 = arith.index_cast %parallel_loop3A_224 : i32 to index
        %parallel_loop3A_230 = arith.constant 0 : index
        %parallel_loop3A_231 = tpu.vector_load %arg9[%parallel_loop3A_229, %parallel_loop3A_230] {strides = array<i32>} : memref<4096x16xf32, #tpu.memory_space<vmem>>, vector<16xf32>,
        tpu.vector_store %arg9[%parallel_loop3A_229, %parallel_loop3A_230], %parallel_loop3A_228 {add = true, strides = array<i32>} : memref<4096x16xf32, #tpu.memory_space<vmem>>, vector<16xf32>,
        %parallel_loop3A_232 = vector.extract_strided_slice %parallel_loop3A_119 {offsets = [8], sizes = [1], strides = [1]} : vector<16xi32> to vector<1xi32>
        %parallel_loop3A_233 = vector.extract %parallel_loop3A_232[0] : i32 from vector<1xi32>
        %parallel_loop3A_234 = arith.index_cast %parallel_loop3A_233 : i32 to index
        %parallel_loop3A_235 = arith.constant 0 : index
        %parallel_loop3A_236 = tpu.vector_load %arg8[%parallel_loop3A_234, %parallel_loop3A_235] {strides = array<i32>} : memref<512x16xf32, #tpu.memory_space<vmem>>, vector<16xf32>,
        %parallel_loop3A_237 = vector.extract_strided_slice %parallel_loop3A_101 {offsets = [8], sizes = [1], strides = [1]} : vector<16xi32> to vector<1xi32>
        %parallel_loop3A_238 = vector.extract %parallel_loop3A_237[0] : i32 from vector<1xi32>
        %parallel_loop3A_239 = vector.extract_strided_slice %parallel_loop3A_114 {offsets = [8], sizes = [1], strides = [1]} : vector<16xf32> to vector<1xf32>
        %parallel_loop3A_240 = vector.extract %parallel_loop3A_239[0] : f32 from vector<1xf32>
        %parallel_loop3A_241 = vector.broadcast %parallel_loop3A_240 : f32 to vector<16xf32>
        %parallel_loop3A_242 = arith.mulf %parallel_loop3A_236, %parallel_loop3A_241 : vector<16xf32>
        %parallel_loop3A_243 = arith.index_cast %parallel_loop3A_238 : i32 to index
        %parallel_loop3A_244 = arith.constant 0 : index
        %parallel_loop3A_245 = tpu.vector_load %arg9[%parallel_loop3A_243, %parallel_loop3A_244] {strides = array<i32>} : memref<4096x16xf32, #tpu.memory_space<vmem>>, vector<16xf32>,
        tpu.vector_store %arg9[%parallel_loop3A_243, %parallel_loop3A_244], %parallel_loop3A_242 {add = true, strides = array<i32>} : memref<4096x16xf32, #tpu.memory_space<vmem>>, vector<16xf32>,
        %parallel_loop3A_246 = vector.extract_strided_slice %parallel_loop3A_119 {offsets = [9], sizes = [1], strides = [1]} : vector<16xi32> to vector<1xi32>
        %parallel_loop3A_247 = vector.extract %parallel_loop3A_246[0] : i32 from vector<1xi32>
        %parallel_loop3A_248 = arith.index_cast %parallel_loop3A_247 : i32 to index
        %parallel_loop3A_249 = arith.constant 0 : index
        %parallel_loop3A_250 = tpu.vector_load %arg8[%parallel_loop3A_248, %parallel_loop3A_249] {strides = array<i32>} : memref<512x16xf32, #tpu.memory_space<vmem>>, vector<16xf32>,
        %parallel_loop3A_251 = vector.extract_strided_slice %parallel_loop3A_101 {offsets = [9], sizes = [1], strides = [1]} : vector<16xi32> to vector<1xi32>
        %parallel_loop3A_252 = vector.extract %parallel_loop3A_251[0] : i32 from vector<1xi32>
        %parallel_loop3A_253 = vector.extract_strided_slice %parallel_loop3A_114 {offsets = [9], sizes = [1], strides = [1]} : vector<16xf32> to vector<1xf32>
        %parallel_loop3A_254 = vector.extract %parallel_loop3A_253[0] : f32 from vector<1xf32>
        %parallel_loop3A_255 = vector.broadcast %parallel_loop3A_254 : f32 to vector<16xf32>
        %parallel_loop3A_256 = arith.mulf %parallel_loop3A_250, %parallel_loop3A_255 : vector<16xf32>
        %parallel_loop3A_257 = arith.index_cast %parallel_loop3A_252 : i32 to index
        %parallel_loop3A_258 = arith.constant 0 : index
        %parallel_loop3A_259 = tpu.vector_load %arg9[%parallel_loop3A_257, %parallel_loop3A_258] {strides = array<i32>} : memref<4096x16xf32, #tpu.memory_space<vmem>>, vector<16xf32>,
        tpu.vector_store %arg9[%parallel_loop3A_257, %parallel_loop3A_258], %parallel_loop3A_256 {add = true, strides = array<i32>} : memref<4096x16xf32, #tpu.memory_space<vmem>>, vector<16xf32>,
        %parallel_loop3A_260 = vector.extract_strided_slice %parallel_loop3A_119 {offsets = [10], sizes = [1], strides = [1]} : vector<16xi32> to vector<1xi32>
        %parallel_loop3A_261 = vector.extract %parallel_loop3A_260[0] : i32 from vector<1xi32>
        %parallel_loop3A_262 = arith.index_cast %parallel_loop3A_261 : i32 to index
        %parallel_loop3A_263 = arith.constant 0 : index
        %parallel_loop3A_264 = tpu.vector_load %arg8[%parallel_loop3A_262, %parallel_loop3A_263] {strides = array<i32>} : memref<512x16xf32, #tpu.memory_space<vmem>>, vector<16xf32>,
        %parallel_loop3A_265 = vector.extract_strided_slice %parallel_loop3A_101 {offsets = [10], sizes = [1], strides = [1]} : vector<16xi32> to vector<1xi32>
        %parallel_loop3A_266 = vector.extract %parallel_loop3A_265[0] : i32 from vector<1xi32>
        %parallel_loop3A_267 = vector.extract_strided_slice %parallel_loop3A_114 {offsets = [10], sizes = [1], strides = [1]} : vector<16xf32> to vector<1xf32>
        %parallel_loop3A_268 = vector.extract %parallel_loop3A_267[0] : f32 from vector<1xf32>
        %parallel_loop3A_269 = vector.broadcast %parallel_loop3A_268 : f32 to vector<16xf32>
        %parallel_loop3A_270 = arith.mulf %parallel_loop3A_264, %parallel_loop3A_269 : vector<16xf32>
        %parallel_loop3A_271 = arith.index_cast %parallel_loop3A_266 : i32 to index
        %parallel_loop3A_272 = arith.constant 0 : index
        %parallel_loop3A_273 = tpu.vector_load %arg9[%parallel_loop3A_271, %parallel_loop3A_272] {strides = array<i32>} : memref<4096x16xf32, #tpu.memory_space<vmem>>, vector<16xf32>,
        tpu.vector_store %arg9[%parallel_loop3A_271, %parallel_loop3A_272], %parallel_loop3A_270 {add = true, strides = array<i32>} : memref<4096x16xf32, #tpu.memory_space<vmem>>, vector<16xf32>,
        %parallel_loop3A_274 = vector.extract_strided_slice %parallel_loop3A_119 {offsets = [11], sizes = [1], strides = [1]} : vector<16xi32> to vector<1xi32>
        %parallel_loop3A_275 = vector.extract %parallel_loop3A_274[0] : i32 from vector<1xi32>
        %parallel_loop3A_276 = arith.index_cast %parallel_loop3A_275 : i32 to index
        %parallel_loop3A_277 = arith.constant 0 : index
        %parallel_loop3A_278 = tpu.vector_load %arg8[%parallel_loop3A_276, %parallel_loop3A_277] {strides = array<i32>} : memref<512x16xf32, #tpu.memory_space<vmem>>, vector<16xf32>,
        %parallel_loop3A_279 = vector.extract_strided_slice %parallel_loop3A_101 {offsets = [11], sizes = [1], strides = [1]} : vector<16xi32> to vector<1xi32>
        %parallel_loop3A_280 = vector.extract %parallel_loop3A_279[0] : i32 from vector<1xi32>
        %parallel_loop3A_281 = vector.extract_strided_slice %parallel_loop3A_114 {offsets = [11], sizes = [1], strides = [1]} : vector<16xf32> to vector<1xf32>
        %parallel_loop3A_282 = vector.extract %parallel_loop3A_281[0] : f32 from vector<1xf32>
        %parallel_loop3A_283 = vector.broadcast %parallel_loop3A_282 : f32 to vector<16xf32>
        %parallel_loop3A_284 = arith.mulf %parallel_loop3A_278, %parallel_loop3A_283 : vector<16xf32>
        %parallel_loop3A_285 = arith.index_cast %parallel_loop3A_280 : i32 to index
        %parallel_loop3A_286 = arith.constant 0 : index
        %parallel_loop3A_287 = tpu.vector_load %arg9[%parallel_loop3A_285, %parallel_loop3A_286] {strides = array<i32>} : memref<4096x16xf32, #tpu.memory_space<vmem>>, vector<16xf32>,
        tpu.vector_store %arg9[%parallel_loop3A_285, %parallel_loop3A_286], %parallel_loop3A_284 {add = true, strides = array<i32>} : memref<4096x16xf32, #tpu.memory_space<vmem>>, vector<16xf32>,
        %parallel_loop3A_288 = vector.extract_strided_slice %parallel_loop3A_119 {offsets = [12], sizes = [1], strides = [1]} : vector<16xi32> to vector<1xi32>
        %parallel_loop3A_289 = vector.extract %parallel_loop3A_288[0] : i32 from vector<1xi32>
        %parallel_loop3A_290 = arith.index_cast %parallel_loop3A_289 : i32 to index
        %parallel_loop3A_291 = arith.constant 0 : index
        %parallel_loop3A_292 = tpu.vector_load %arg8[%parallel_loop3A_290, %parallel_loop3A_291] {strides = array<i32>} : memref<512x16xf32, #tpu.memory_space<vmem>>, vector<16xf32>,
        %parallel_loop3A_293 = vector.extract_strided_slice %parallel_loop3A_101 {offsets = [12], sizes = [1], strides = [1]} : vector<16xi32> to vector<1xi32>
        %parallel_loop3A_294 = vector.extract %parallel_loop3A_293[0] : i32 from vector<1xi32>
        %parallel_loop3A_295 = vector.extract_strided_slice %parallel_loop3A_114 {offsets = [12], sizes = [1], strides = [1]} : vector<16xf32> to vector<1xf32>
        %parallel_loop3A_296 = vector.extract %parallel_loop3A_295[0] : f32 from vector<1xf32>
        %parallel_loop3A_297 = vector.broadcast %parallel_loop3A_296 : f32 to vector<16xf32>
        %parallel_loop3A_298 = arith.mulf %parallel_loop3A_292, %parallel_loop3A_297 : vector<16xf32>
        %parallel_loop3A_299 = arith.index_cast %parallel_loop3A_294 : i32 to index
        %parallel_loop3A_300 = arith.constant 0 : index
        %parallel_loop3A_301 = tpu.vector_load %arg9[%parallel_loop3A_299, %parallel_loop3A_300] {strides = array<i32>} : memref<4096x16xf32, #tpu.memory_space<vmem>>, vector<16xf32>,
        tpu.vector_store %arg9[%parallel_loop3A_299, %parallel_loop3A_300], %parallel_loop3A_298 {add = true, strides = array<i32>} : memref<4096x16xf32, #tpu.memory_space<vmem>>, vector<16xf32>,
        %parallel_loop3A_302 = vector.extract_strided_slice %parallel_loop3A_119 {offsets = [13], sizes = [1], strides = [1]} : vector<16xi32> to vector<1xi32>
        %parallel_loop3A_303 = vector.extract %parallel_loop3A_302[0] : i32 from vector<1xi32>
        %parallel_loop3A_304 = arith.index_cast %parallel_loop3A_303 : i32 to index
        %parallel_loop3A_305 = arith.constant 0 : index
        %parallel_loop3A_306 = tpu.vector_load %arg8[%parallel_loop3A_304, %parallel_loop3A_305] {strides = array<i32>} : memref<512x16xf32, #tpu.memory_space<vmem>>, vector<16xf32>,
        %parallel_loop3A_307 = vector.extract_strided_slice %parallel_loop3A_101 {offsets = [13], sizes = [1], strides = [1]} : vector<16xi32> to vector<1xi32>
        %parallel_loop3A_308 = vector.extract %parallel_loop3A_307[0] : i32 from vector<1xi32>
        %parallel_loop3A_309 = vector.extract_strided_slice %parallel_loop3A_114 {offsets = [13], sizes = [1], strides = [1]} : vector<16xf32> to vector<1xf32>
        %parallel_loop3A_310 = vector.extract %parallel_loop3A_309[0] : f32 from vector<1xf32>
        %parallel_loop3A_311 = vector.broadcast %parallel_loop3A_310 : f32 to vector<16xf32>
        %parallel_loop3A_312 = arith.mulf %parallel_loop3A_306, %parallel_loop3A_311 : vector<16xf32>
        %parallel_loop3A_313 = arith.index_cast %parallel_loop3A_308 : i32 to index
        %parallel_loop3A_314 = arith.constant 0 : index
        %parallel_loop3A_315 = tpu.vector_load %arg9[%parallel_loop3A_313, %parallel_loop3A_314] {strides = array<i32>} : memref<4096x16xf32, #tpu.memory_space<vmem>>, vector<16xf32>,
        tpu.vector_store %arg9[%parallel_loop3A_313, %parallel_loop3A_314], %parallel_loop3A_312 {add = true, strides = array<i32>} : memref<4096x16xf32, #tpu.memory_space<vmem>>, vector<16xf32>,
        %parallel_loop3A_316 = vector.extract_strided_slice %parallel_loop3A_119 {offsets = [14], sizes = [1], strides = [1]} : vector<16xi32> to vector<1xi32>
        %parallel_loop3A_317 = vector.extract %parallel_loop3A_316[0] : i32 from vector<1xi32>
        %parallel_loop3A_318 = arith.index_cast %parallel_loop3A_317 : i32 to index
        %parallel_loop3A_319 = arith.constant 0 : index
        %parallel_loop3A_320 = tpu.vector_load %arg8[%parallel_loop3A_318, %parallel_loop3A_319] {strides = array<i32>} : memref<512x16xf32, #tpu.memory_space<vmem>>, vector<16xf32>,
        %parallel_loop3A_321 = vector.extract_strided_slice %parallel_loop3A_101 {offsets = [14], sizes = [1], strides = [1]} : vector<16xi32> to vector<1xi32>
        %parallel_loop3A_322 = vector.extract %parallel_loop3A_321[0] : i32 from vector<1xi32>
        %parallel_loop3A_323 = vector.extract_strided_slice %parallel_loop3A_114 {offsets = [14], sizes = [1], strides = [1]} : vector<16xf32> to vector<1xf32>
        %parallel_loop3A_324 = vector.extract %parallel_loop3A_323[0] : f32 from vector<1xf32>
        %parallel_loop3A_325 = vector.broadcast %parallel_loop3A_324 : f32 to vector<16xf32>
        %parallel_loop3A_326 = arith.mulf %parallel_loop3A_320, %parallel_loop3A_325 : vector<16xf32>
        %parallel_loop3A_327 = arith.index_cast %parallel_loop3A_322 : i32 to index
        %parallel_loop3A_328 = arith.constant 0 : index
        %parallel_loop3A_329 = tpu.vector_load %arg9[%parallel_loop3A_327, %parallel_loop3A_328] {strides = array<i32>} : memref<4096x16xf32, #tpu.memory_space<vmem>>, vector<16xf32>,
        tpu.vector_store %arg9[%parallel_loop3A_327, %parallel_loop3A_328], %parallel_loop3A_326 {add = true, strides = array<i32>} : memref<4096x16xf32, #tpu.memory_space<vmem>>, vector<16xf32>,
        %parallel_loop3A_330 = vector.extract_strided_slice %parallel_loop3A_119 {offsets = [15], sizes = [1], strides = [1]} : vector<16xi32> to vector<1xi32>
        %parallel_loop3A_331 = vector.extract %parallel_loop3A_330[0] : i32 from vector<1xi32>
        %parallel_loop3A_332 = arith.index_cast %parallel_loop3A_331 : i32 to index
        %parallel_loop3A_333 = arith.constant 0 : index
        %parallel_loop3A_334 = tpu.vector_load %arg8[%parallel_loop3A_332, %parallel_loop3A_333] {strides = array<i32>} : memref<512x16xf32, #tpu.memory_space<vmem>>, vector<16xf32>,
        %parallel_loop3A_335 = vector.extract_strided_slice %parallel_loop3A_101 {offsets = [15], sizes = [1], strides = [1]} : vector<16xi32> to vector<1xi32>
        %parallel_loop3A_336 = vector.extract %parallel_loop3A_335[0] : i32 from vector<1xi32>
        %parallel_loop3A_337 = vector.extract_strided_slice %parallel_loop3A_114 {offsets = [15], sizes = [1], strides = [1]} : vector<16xf32> to vector<1xf32>
        %parallel_loop3A_338 = vector.extract %parallel_loop3A_337[0] : f32 from vector<1xf32>
        %parallel_loop3A_339 = vector.broadcast %parallel_loop3A_338 : f32 to vector<16xf32>
        %parallel_loop3A_340 = arith.mulf %parallel_loop3A_334, %parallel_loop3A_339 : vector<16xf32>
        %parallel_loop3A_341 = arith.index_cast %parallel_loop3A_336 : i32 to index
        %parallel_loop3A_342 = arith.constant 0 : index
        %parallel_loop3A_343 = tpu.vector_load %arg9[%parallel_loop3A_341, %parallel_loop3A_342] {strides = array<i32>} : memref<4096x16xf32, #tpu.memory_space<vmem>>, vector<16xf32>,
        tpu.vector_store %arg9[%parallel_loop3A_341, %parallel_loop3A_342], %parallel_loop3A_340 {add = true, strides = array<i32>} : memref<4096x16xf32, #tpu.memory_space<vmem>>, vector<16xf32>,
      } {sc.loop_unroll_factor = 4 : i64, sc.parallel_access}
    }
    %while3A_77 = arith.constant 1 : i32
    scf.for %while3A_80 = %while3A_75 to %while3A_71 step %while3A_77  : i32 {
      %mul3A_81 = arith.constant 4096 : i32
      %mul3A_82 = arith.muli %while3A_80, %mul3A_81 : i32
      "tpu.region"() ({
        %run_scoped3A = tpu.sem_alloc : memref<!tpu.dma_semaphore, #tpu.memory_space<semaphore_mem>>
        %dma_start3A = tpu.memref_slice %arg2[%mul3A_82] : memref<167936xi32, #tpu.memory_space<hbm>> -> memref<4096xi32, #tpu.memory_space<hbm>>
        %dma_start3A_89 = tpu.memref_slice %arg2[%mul3A_82] : memref<167936xi32, #tpu.memory_space<hbm>> -> memref<4096xi32, #tpu.memory_space<hbm>>
        tpu.enqueue_dma source(%dma_start3A_89 : memref<4096xi32, #tpu.memory_space<hbm>>) target(%arg10 : memref<4096xi32, #tpu.memory_space<vmem>>) target_semaphore(%run_scoped3A : memref<!tpu.dma_semaphore, #tpu.memory_space<semaphore_mem>>)
        %dma_wait3A = tpu.memref_slice %arg2[%mul3A_82] : memref<167936xi32, #tpu.memory_space<hbm>> -> memref<4096xi32, #tpu.memory_space<hbm>>
        %dma_wait3A_90 = tpu.memref_slice %arg2[%mul3A_82] : memref<167936xi32, #tpu.memory_space<hbm>> -> memref<4096xi32, #tpu.memory_space<hbm>>
        tpu.wait_dma2 semaphore(%run_scoped3A : memref<!tpu.dma_semaphore, #tpu.memory_space<semaphore_mem>>) src(%dma_wait3A_90 : memref<4096xi32, #tpu.memory_space<hbm>>) dst(%arg10 : memref<4096xi32, #tpu.memory_space<vmem>>)
        tpu.yield
      }) : () -> ()
      %mul3A_83 = arith.constant 4096 : i32
      %mul3A_84 = arith.muli %while3A_80, %mul3A_83 : i32
      "tpu.region"() ({
        %run_scoped3A = tpu.sem_alloc : memref<!tpu.dma_semaphore, #tpu.memory_space<semaphore_mem>>
        %dma_start3A = tpu.memref_slice %arg3[%mul3A_84] : memref<167936xf32, #tpu.memory_space<hbm>> -> memref<4096xf32, #tpu.memory_space<hbm>>
        %dma_start3A_89 = tpu.memref_slice %arg3[%mul3A_84] : memref<167936xf32, #tpu.memory_space<hbm>> -> memref<4096xf32, #tpu.memory_space<hbm>>
        tpu.enqueue_dma source(%dma_start3A_89 : memref<4096xf32, #tpu.memory_space<hbm>>) target(%arg11 : memref<4096xf32, #tpu.memory_space<vmem>>) target_semaphore(%run_scoped3A : memref<!tpu.dma_semaphore, #tpu.memory_space<semaphore_mem>>)
        %dma_wait3A = tpu.memref_slice %arg3[%mul3A_84] : memref<167936xf32, #tpu.memory_space<hbm>> -> memref<4096xf32, #tpu.memory_space<hbm>>
        %dma_wait3A_90 = tpu.memref_slice %arg3[%mul3A_84] : memref<167936xf32, #tpu.memory_space<hbm>> -> memref<4096xf32, #tpu.memory_space<hbm>>
        tpu.wait_dma2 semaphore(%run_scoped3A : memref<!tpu.dma_semaphore, #tpu.memory_space<semaphore_mem>>) src(%dma_wait3A_90 : memref<4096xf32, #tpu.memory_space<hbm>>) dst(%arg11 : memref<4096xf32, #tpu.memory_space<vmem>>)
        tpu.yield
      }) : () -> ()
      %mul3A_85 = arith.constant 4096 : i32
      %mul3A_86 = arith.muli %while3A_80, %mul3A_85 : i32
      %parallel_loop3A = arith.constant 0 : i32
      %parallel_loop3A_87 = arith.constant 256 : i32
      %parallel_loop3A_88 = arith.constant 1 : i32
      scf.for %parallel_loop3A_89 = %parallel_loop3A to %parallel_loop3A_87 step %parallel_loop3A_88  : i32 {
        %parallel_loop3A_90 = arith.constant 16 : i32
        %parallel_loop3A_91 = arith.muli %parallel_loop3A_89, %parallel_loop3A_90 : i32
        %parallel_loop3A_92 = arith.index_cast %parallel_loop3A_91 : i32 to index
        %parallel_loop3A_93 = tpu.vector_load %arg10[%parallel_loop3A_92] {strides = array<i32>} : memref<4096xi32, #tpu.memory_space<vmem>>, vector<16xi32>,
        %parallel_loop3A_94 = arith.index_cast %parallel_loop3A_91 : i32 to index
        %parallel_loop3A_95 = tpu.vector_load %arg11[%parallel_loop3A_94] {strides = array<i32>} : memref<4096xf32, #tpu.memory_space<vmem>>, vector<16xf32>,
        %parallel_loop3A_96 = arith.constant 12 : i32
        %parallel_loop3A_97 = vector.broadcast %parallel_loop3A_96 : i32 to vector<16xi32>
        %parallel_loop3A_98 = arith.shrsi %parallel_loop3A_93, %parallel_loop3A_97 : vector<16xi32>
        %parallel_loop3A_99 = arith.constant 4095 : i32
        %parallel_loop3A_100 = vector.broadcast %parallel_loop3A_99 : i32 to vector<16xi32>
        %parallel_loop3A_101 = arith.andi %parallel_loop3A_93, %parallel_loop3A_100 : vector<16xi32>
        %parallel_loop3A_102 = arith.constant 16 : i32
        %parallel_loop3A_103 = arith.muli %parallel_loop3A_89, %parallel_loop3A_102 : i32
        %parallel_loop3A_104 = arith.addi %mul3A_86, %parallel_loop3A_103 : i32
        %parallel_loop3A_105 = vector.broadcast %parallel_loop3A_104 : i32 to vector<16xi32>
        %parallel_loop3A_106 = arith.addi %parallel_loop3A_105, %iota3A : vector<16xi32>
        %parallel_loop3A_107 = vector.broadcast %reduce_sum3A_11 : i32 to vector<16xi32>
        %parallel_loop3A_108 = arith.cmpi sge, %parallel_loop3A_106, %parallel_loop3A_107 : vector<16xi32>
        %parallel_loop3A_109 = vector.broadcast %reduce_sum3A_22 : i32 to vector<16xi32>
        %parallel_loop3A_110 = arith.cmpi slt, %parallel_loop3A_106, %parallel_loop3A_109 : vector<16xi32>
        %parallel_loop3A_111 = arith.andi %parallel_loop3A_108, %parallel_loop3A_110 : vector<16xi1>
        %parallel_loop3A_112 = arith.constant 0.000000e+00 : f32
        %parallel_loop3A_113 = vector.broadcast %parallel_loop3A_112 : f32 to vector<16xf32>
        %parallel_loop3A_114 = arith.select %parallel_loop3A_111, %parallel_loop3A_95, %parallel_loop3A_113 : vector<16xi1>, vector<16xf32>
        %parallel_loop3A_115 = vector.broadcast %mul3A_4 : i32 to vector<16xi32>
        %parallel_loop3A_116 = arith.subi %parallel_loop3A_98, %parallel_loop3A_115 : vector<16xi32>
        %parallel_loop3A_117 = arith.constant 0 : i32
        %parallel_loop3A_118 = vector.broadcast %parallel_loop3A_117 : i32 to vector<16xi32>
        %parallel_loop3A_119 = arith.select %parallel_loop3A_111, %parallel_loop3A_116, %parallel_loop3A_118 : vector<16xi1>, vector<16xi32>
        %parallel_loop3A_120 = vector.extract_strided_slice %parallel_loop3A_119 {offsets = [0], sizes = [1], strides = [1]} : vector<16xi32> to vector<1xi32>
        %parallel_loop3A_121 = vector.extract %parallel_loop3A_120[0] : i32 from vector<1xi32>
        %parallel_loop3A_122 = arith.index_cast %parallel_loop3A_121 : i32 to index
        %parallel_loop3A_123 = arith.constant 0 : index
        %parallel_loop3A_124 = tpu.vector_load %arg8[%parallel_loop3A_122, %parallel_loop3A_123] {strides = array<i32>} : memref<512x16xf32, #tpu.memory_space<vmem>>, vector<16xf32>,
        %parallel_loop3A_125 = vector.extract_strided_slice %parallel_loop3A_101 {offsets = [0], sizes = [1], strides = [1]} : vector<16xi32> to vector<1xi32>
        %parallel_loop3A_126 = vector.extract %parallel_loop3A_125[0] : i32 from vector<1xi32>
        %parallel_loop3A_127 = vector.extract_strided_slice %parallel_loop3A_114 {offsets = [0], sizes = [1], strides = [1]} : vector<16xf32> to vector<1xf32>
        %parallel_loop3A_128 = vector.extract %parallel_loop3A_127[0] : f32 from vector<1xf32>
        %parallel_loop3A_129 = vector.broadcast %parallel_loop3A_128 : f32 to vector<16xf32>
        %parallel_loop3A_130 = arith.mulf %parallel_loop3A_124, %parallel_loop3A_129 : vector<16xf32>
        %parallel_loop3A_131 = arith.index_cast %parallel_loop3A_126 : i32 to index
        %parallel_loop3A_132 = arith.constant 0 : index
        %parallel_loop3A_133 = tpu.vector_load %arg9[%parallel_loop3A_131, %parallel_loop3A_132] {strides = array<i32>} : memref<4096x16xf32, #tpu.memory_space<vmem>>, vector<16xf32>,
        tpu.vector_store %arg9[%parallel_loop3A_131, %parallel_loop3A_132], %parallel_loop3A_130 {add = true, strides = array<i32>} : memref<4096x16xf32, #tpu.memory_space<vmem>>, vector<16xf32>,
        %parallel_loop3A_134 = vector.extract_strided_slice %parallel_loop3A_119 {offsets = [1], sizes = [1], strides = [1]} : vector<16xi32> to vector<1xi32>
        %parallel_loop3A_135 = vector.extract %parallel_loop3A_134[0] : i32 from vector<1xi32>
        %parallel_loop3A_136 = arith.index_cast %parallel_loop3A_135 : i32 to index
        %parallel_loop3A_137 = arith.constant 0 : index
        %parallel_loop3A_138 = tpu.vector_load %arg8[%parallel_loop3A_136, %parallel_loop3A_137] {strides = array<i32>} : memref<512x16xf32, #tpu.memory_space<vmem>>, vector<16xf32>,
        %parallel_loop3A_139 = vector.extract_strided_slice %parallel_loop3A_101 {offsets = [1], sizes = [1], strides = [1]} : vector<16xi32> to vector<1xi32>
        %parallel_loop3A_140 = vector.extract %parallel_loop3A_139[0] : i32 from vector<1xi32>
        %parallel_loop3A_141 = vector.extract_strided_slice %parallel_loop3A_114 {offsets = [1], sizes = [1], strides = [1]} : vector<16xf32> to vector<1xf32>
        %parallel_loop3A_142 = vector.extract %parallel_loop3A_141[0] : f32 from vector<1xf32>
        %parallel_loop3A_143 = vector.broadcast %parallel_loop3A_142 : f32 to vector<16xf32>
        %parallel_loop3A_144 = arith.mulf %parallel_loop3A_138, %parallel_loop3A_143 : vector<16xf32>
        %parallel_loop3A_145 = arith.index_cast %parallel_loop3A_140 : i32 to index
        %parallel_loop3A_146 = arith.constant 0 : index
        %parallel_loop3A_147 = tpu.vector_load %arg9[%parallel_loop3A_145, %parallel_loop3A_146] {strides = array<i32>} : memref<4096x16xf32, #tpu.memory_space<vmem>>, vector<16xf32>,
        tpu.vector_store %arg9[%parallel_loop3A_145, %parallel_loop3A_146], %parallel_loop3A_144 {add = true, strides = array<i32>} : memref<4096x16xf32, #tpu.memory_space<vmem>>, vector<16xf32>,
        %parallel_loop3A_148 = vector.extract_strided_slice %parallel_loop3A_119 {offsets = [2], sizes = [1], strides = [1]} : vector<16xi32> to vector<1xi32>
        %parallel_loop3A_149 = vector.extract %parallel_loop3A_148[0] : i32 from vector<1xi32>
        %parallel_loop3A_150 = arith.index_cast %parallel_loop3A_149 : i32 to index
        %parallel_loop3A_151 = arith.constant 0 : index
        %parallel_loop3A_152 = tpu.vector_load %arg8[%parallel_loop3A_150, %parallel_loop3A_151] {strides = array<i32>} : memref<512x16xf32, #tpu.memory_space<vmem>>, vector<16xf32>,
        %parallel_loop3A_153 = vector.extract_strided_slice %parallel_loop3A_101 {offsets = [2], sizes = [1], strides = [1]} : vector<16xi32> to vector<1xi32>
        %parallel_loop3A_154 = vector.extract %parallel_loop3A_153[0] : i32 from vector<1xi32>
        %parallel_loop3A_155 = vector.extract_strided_slice %parallel_loop3A_114 {offsets = [2], sizes = [1], strides = [1]} : vector<16xf32> to vector<1xf32>
        %parallel_loop3A_156 = vector.extract %parallel_loop3A_155[0] : f32 from vector<1xf32>
        %parallel_loop3A_157 = vector.broadcast %parallel_loop3A_156 : f32 to vector<16xf32>
        %parallel_loop3A_158 = arith.mulf %parallel_loop3A_152, %parallel_loop3A_157 : vector<16xf32>
        %parallel_loop3A_159 = arith.index_cast %parallel_loop3A_154 : i32 to index
        %parallel_loop3A_160 = arith.constant 0 : index
        %parallel_loop3A_161 = tpu.vector_load %arg9[%parallel_loop3A_159, %parallel_loop3A_160] {strides = array<i32>} : memref<4096x16xf32, #tpu.memory_space<vmem>>, vector<16xf32>,
        tpu.vector_store %arg9[%parallel_loop3A_159, %parallel_loop3A_160], %parallel_loop3A_158 {add = true, strides = array<i32>} : memref<4096x16xf32, #tpu.memory_space<vmem>>, vector<16xf32>,
        %parallel_loop3A_162 = vector.extract_strided_slice %parallel_loop3A_119 {offsets = [3], sizes = [1], strides = [1]} : vector<16xi32> to vector<1xi32>
        %parallel_loop3A_163 = vector.extract %parallel_loop3A_162[0] : i32 from vector<1xi32>
        %parallel_loop3A_164 = arith.index_cast %parallel_loop3A_163 : i32 to index
        %parallel_loop3A_165 = arith.constant 0 : index
        %parallel_loop3A_166 = tpu.vector_load %arg8[%parallel_loop3A_164, %parallel_loop3A_165] {strides = array<i32>} : memref<512x16xf32, #tpu.memory_space<vmem>>, vector<16xf32>,
        %parallel_loop3A_167 = vector.extract_strided_slice %parallel_loop3A_101 {offsets = [3], sizes = [1], strides = [1]} : vector<16xi32> to vector<1xi32>
        %parallel_loop3A_168 = vector.extract %parallel_loop3A_167[0] : i32 from vector<1xi32>
        %parallel_loop3A_169 = vector.extract_strided_slice %parallel_loop3A_114 {offsets = [3], sizes = [1], strides = [1]} : vector<16xf32> to vector<1xf32>
        %parallel_loop3A_170 = vector.extract %parallel_loop3A_169[0] : f32 from vector<1xf32>
        %parallel_loop3A_171 = vector.broadcast %parallel_loop3A_170 : f32 to vector<16xf32>
        %parallel_loop3A_172 = arith.mulf %parallel_loop3A_166, %parallel_loop3A_171 : vector<16xf32>
        %parallel_loop3A_173 = arith.index_cast %parallel_loop3A_168 : i32 to index
        %parallel_loop3A_174 = arith.constant 0 : index
        %parallel_loop3A_175 = tpu.vector_load %arg9[%parallel_loop3A_173, %parallel_loop3A_174] {strides = array<i32>} : memref<4096x16xf32, #tpu.memory_space<vmem>>, vector<16xf32>,
        tpu.vector_store %arg9[%parallel_loop3A_173, %parallel_loop3A_174], %parallel_loop3A_172 {add = true, strides = array<i32>} : memref<4096x16xf32, #tpu.memory_space<vmem>>, vector<16xf32>,
        %parallel_loop3A_176 = vector.extract_strided_slice %parallel_loop3A_119 {offsets = [4], sizes = [1], strides = [1]} : vector<16xi32> to vector<1xi32>
        %parallel_loop3A_177 = vector.extract %parallel_loop3A_176[0] : i32 from vector<1xi32>
        %parallel_loop3A_178 = arith.index_cast %parallel_loop3A_177 : i32 to index
        %parallel_loop3A_179 = arith.constant 0 : index
        %parallel_loop3A_180 = tpu.vector_load %arg8[%parallel_loop3A_178, %parallel_loop3A_179] {strides = array<i32>} : memref<512x16xf32, #tpu.memory_space<vmem>>, vector<16xf32>,
        %parallel_loop3A_181 = vector.extract_strided_slice %parallel_loop3A_101 {offsets = [4], sizes = [1], strides = [1]} : vector<16xi32> to vector<1xi32>
        %parallel_loop3A_182 = vector.extract %parallel_loop3A_181[0] : i32 from vector<1xi32>
        %parallel_loop3A_183 = vector.extract_strided_slice %parallel_loop3A_114 {offsets = [4], sizes = [1], strides = [1]} : vector<16xf32> to vector<1xf32>
        %parallel_loop3A_184 = vector.extract %parallel_loop3A_183[0] : f32 from vector<1xf32>
        %parallel_loop3A_185 = vector.broadcast %parallel_loop3A_184 : f32 to vector<16xf32>
        %parallel_loop3A_186 = arith.mulf %parallel_loop3A_180, %parallel_loop3A_185 : vector<16xf32>
        %parallel_loop3A_187 = arith.index_cast %parallel_loop3A_182 : i32 to index
        %parallel_loop3A_188 = arith.constant 0 : index
        %parallel_loop3A_189 = tpu.vector_load %arg9[%parallel_loop3A_187, %parallel_loop3A_188] {strides = array<i32>} : memref<4096x16xf32, #tpu.memory_space<vmem>>, vector<16xf32>,
        tpu.vector_store %arg9[%parallel_loop3A_187, %parallel_loop3A_188], %parallel_loop3A_186 {add = true, strides = array<i32>} : memref<4096x16xf32, #tpu.memory_space<vmem>>, vector<16xf32>,
        %parallel_loop3A_190 = vector.extract_strided_slice %parallel_loop3A_119 {offsets = [5], sizes = [1], strides = [1]} : vector<16xi32> to vector<1xi32>
        %parallel_loop3A_191 = vector.extract %parallel_loop3A_190[0] : i32 from vector<1xi32>
        %parallel_loop3A_192 = arith.index_cast %parallel_loop3A_191 : i32 to index
        %parallel_loop3A_193 = arith.constant 0 : index
        %parallel_loop3A_194 = tpu.vector_load %arg8[%parallel_loop3A_192, %parallel_loop3A_193] {strides = array<i32>} : memref<512x16xf32, #tpu.memory_space<vmem>>, vector<16xf32>,
        %parallel_loop3A_195 = vector.extract_strided_slice %parallel_loop3A_101 {offsets = [5], sizes = [1], strides = [1]} : vector<16xi32> to vector<1xi32>
        %parallel_loop3A_196 = vector.extract %parallel_loop3A_195[0] : i32 from vector<1xi32>
        %parallel_loop3A_197 = vector.extract_strided_slice %parallel_loop3A_114 {offsets = [5], sizes = [1], strides = [1]} : vector<16xf32> to vector<1xf32>
        %parallel_loop3A_198 = vector.extract %parallel_loop3A_197[0] : f32 from vector<1xf32>
        %parallel_loop3A_199 = vector.broadcast %parallel_loop3A_198 : f32 to vector<16xf32>
        %parallel_loop3A_200 = arith.mulf %parallel_loop3A_194, %parallel_loop3A_199 : vector<16xf32>
        %parallel_loop3A_201 = arith.index_cast %parallel_loop3A_196 : i32 to index
        %parallel_loop3A_202 = arith.constant 0 : index
        %parallel_loop3A_203 = tpu.vector_load %arg9[%parallel_loop3A_201, %parallel_loop3A_202] {strides = array<i32>} : memref<4096x16xf32, #tpu.memory_space<vmem>>, vector<16xf32>,
        tpu.vector_store %arg9[%parallel_loop3A_201, %parallel_loop3A_202], %parallel_loop3A_200 {add = true, strides = array<i32>} : memref<4096x16xf32, #tpu.memory_space<vmem>>, vector<16xf32>,
        %parallel_loop3A_204 = vector.extract_strided_slice %parallel_loop3A_119 {offsets = [6], sizes = [1], strides = [1]} : vector<16xi32> to vector<1xi32>
        %parallel_loop3A_205 = vector.extract %parallel_loop3A_204[0] : i32 from vector<1xi32>
        %parallel_loop3A_206 = arith.index_cast %parallel_loop3A_205 : i32 to index
        %parallel_loop3A_207 = arith.constant 0 : index
        %parallel_loop3A_208 = tpu.vector_load %arg8[%parallel_loop3A_206, %parallel_loop3A_207] {strides = array<i32>} : memref<512x16xf32, #tpu.memory_space<vmem>>, vector<16xf32>,
        %parallel_loop3A_209 = vector.extract_strided_slice %parallel_loop3A_101 {offsets = [6], sizes = [1], strides = [1]} : vector<16xi32> to vector<1xi32>
        %parallel_loop3A_210 = vector.extract %parallel_loop3A_209[0] : i32 from vector<1xi32>
        %parallel_loop3A_211 = vector.extract_strided_slice %parallel_loop3A_114 {offsets = [6], sizes = [1], strides = [1]} : vector<16xf32> to vector<1xf32>
        %parallel_loop3A_212 = vector.extract %parallel_loop3A_211[0] : f32 from vector<1xf32>
        %parallel_loop3A_213 = vector.broadcast %parallel_loop3A_212 : f32 to vector<16xf32>
        %parallel_loop3A_214 = arith.mulf %parallel_loop3A_208, %parallel_loop3A_213 : vector<16xf32>
        %parallel_loop3A_215 = arith.index_cast %parallel_loop3A_210 : i32 to index
        %parallel_loop3A_216 = arith.constant 0 : index
        %parallel_loop3A_217 = tpu.vector_load %arg9[%parallel_loop3A_215, %parallel_loop3A_216] {strides = array<i32>} : memref<4096x16xf32, #tpu.memory_space<vmem>>, vector<16xf32>,
        tpu.vector_store %arg9[%parallel_loop3A_215, %parallel_loop3A_216], %parallel_loop3A_214 {add = true, strides = array<i32>} : memref<4096x16xf32, #tpu.memory_space<vmem>>, vector<16xf32>,
        %parallel_loop3A_218 = vector.extract_strided_slice %parallel_loop3A_119 {offsets = [7], sizes = [1], strides = [1]} : vector<16xi32> to vector<1xi32>
        %parallel_loop3A_219 = vector.extract %parallel_loop3A_218[0] : i32 from vector<1xi32>
        %parallel_loop3A_220 = arith.index_cast %parallel_loop3A_219 : i32 to index
        %parallel_loop3A_221 = arith.constant 0 : index
        %parallel_loop3A_222 = tpu.vector_load %arg8[%parallel_loop3A_220, %parallel_loop3A_221] {strides = array<i32>} : memref<512x16xf32, #tpu.memory_space<vmem>>, vector<16xf32>,
        %parallel_loop3A_223 = vector.extract_strided_slice %parallel_loop3A_101 {offsets = [7], sizes = [1], strides = [1]} : vector<16xi32> to vector<1xi32>
        %parallel_loop3A_224 = vector.extract %parallel_loop3A_223[0] : i32 from vector<1xi32>
        %parallel_loop3A_225 = vector.extract_strided_slice %parallel_loop3A_114 {offsets = [7], sizes = [1], strides = [1]} : vector<16xf32> to vector<1xf32>
        %parallel_loop3A_226 = vector.extract %parallel_loop3A_225[0] : f32 from vector<1xf32>
        %parallel_loop3A_227 = vector.broadcast %parallel_loop3A_226 : f32 to vector<16xf32>
        %parallel_loop3A_228 = arith.mulf %parallel_loop3A_222, %parallel_loop3A_227 : vector<16xf32>
        %parallel_loop3A_229 = arith.index_cast %parallel_loop3A_224 : i32 to index
        %parallel_loop3A_230 = arith.constant 0 : index
        %parallel_loop3A_231 = tpu.vector_load %arg9[%parallel_loop3A_229, %parallel_loop3A_230] {strides = array<i32>} : memref<4096x16xf32, #tpu.memory_space<vmem>>, vector<16xf32>,
        tpu.vector_store %arg9[%parallel_loop3A_229, %parallel_loop3A_230], %parallel_loop3A_228 {add = true, strides = array<i32>} : memref<4096x16xf32, #tpu.memory_space<vmem>>, vector<16xf32>,
        %parallel_loop3A_232 = vector.extract_strided_slice %parallel_loop3A_119 {offsets = [8], sizes = [1], strides = [1]} : vector<16xi32> to vector<1xi32>
        %parallel_loop3A_233 = vector.extract %parallel_loop3A_232[0] : i32 from vector<1xi32>
        %parallel_loop3A_234 = arith.index_cast %parallel_loop3A_233 : i32 to index
        %parallel_loop3A_235 = arith.constant 0 : index
        %parallel_loop3A_236 = tpu.vector_load %arg8[%parallel_loop3A_234, %parallel_loop3A_235] {strides = array<i32>} : memref<512x16xf32, #tpu.memory_space<vmem>>, vector<16xf32>,
        %parallel_loop3A_237 = vector.extract_strided_slice %parallel_loop3A_101 {offsets = [8], sizes = [1], strides = [1]} : vector<16xi32> to vector<1xi32>
        %parallel_loop3A_238 = vector.extract %parallel_loop3A_237[0] : i32 from vector<1xi32>
        %parallel_loop3A_239 = vector.extract_strided_slice %parallel_loop3A_114 {offsets = [8], sizes = [1], strides = [1]} : vector<16xf32> to vector<1xf32>
        %parallel_loop3A_240 = vector.extract %parallel_loop3A_239[0] : f32 from vector<1xf32>
        %parallel_loop3A_241 = vector.broadcast %parallel_loop3A_240 : f32 to vector<16xf32>
        %parallel_loop3A_242 = arith.mulf %parallel_loop3A_236, %parallel_loop3A_241 : vector<16xf32>
        %parallel_loop3A_243 = arith.index_cast %parallel_loop3A_238 : i32 to index
        %parallel_loop3A_244 = arith.constant 0 : index
        %parallel_loop3A_245 = tpu.vector_load %arg9[%parallel_loop3A_243, %parallel_loop3A_244] {strides = array<i32>} : memref<4096x16xf32, #tpu.memory_space<vmem>>, vector<16xf32>,
        tpu.vector_store %arg9[%parallel_loop3A_243, %parallel_loop3A_244], %parallel_loop3A_242 {add = true, strides = array<i32>} : memref<4096x16xf32, #tpu.memory_space<vmem>>, vector<16xf32>,
        %parallel_loop3A_246 = vector.extract_strided_slice %parallel_loop3A_119 {offsets = [9], sizes = [1], strides = [1]} : vector<16xi32> to vector<1xi32>
        %parallel_loop3A_247 = vector.extract %parallel_loop3A_246[0] : i32 from vector<1xi32>
        %parallel_loop3A_248 = arith.index_cast %parallel_loop3A_247 : i32 to index
        %parallel_loop3A_249 = arith.constant 0 : index
        %parallel_loop3A_250 = tpu.vector_load %arg8[%parallel_loop3A_248, %parallel_loop3A_249] {strides = array<i32>} : memref<512x16xf32, #tpu.memory_space<vmem>>, vector<16xf32>,
        %parallel_loop3A_251 = vector.extract_strided_slice %parallel_loop3A_101 {offsets = [9], sizes = [1], strides = [1]} : vector<16xi32> to vector<1xi32>
        %parallel_loop3A_252 = vector.extract %parallel_loop3A_251[0] : i32 from vector<1xi32>
        %parallel_loop3A_253 = vector.extract_strided_slice %parallel_loop3A_114 {offsets = [9], sizes = [1], strides = [1]} : vector<16xf32> to vector<1xf32>
        %parallel_loop3A_254 = vector.extract %parallel_loop3A_253[0] : f32 from vector<1xf32>
        %parallel_loop3A_255 = vector.broadcast %parallel_loop3A_254 : f32 to vector<16xf32>
        %parallel_loop3A_256 = arith.mulf %parallel_loop3A_250, %parallel_loop3A_255 : vector<16xf32>
        %parallel_loop3A_257 = arith.index_cast %parallel_loop3A_252 : i32 to index
        %parallel_loop3A_258 = arith.constant 0 : index
        %parallel_loop3A_259 = tpu.vector_load %arg9[%parallel_loop3A_257, %parallel_loop3A_258] {strides = array<i32>} : memref<4096x16xf32, #tpu.memory_space<vmem>>, vector<16xf32>,
        tpu.vector_store %arg9[%parallel_loop3A_257, %parallel_loop3A_258], %parallel_loop3A_256 {add = true, strides = array<i32>} : memref<4096x16xf32, #tpu.memory_space<vmem>>, vector<16xf32>,
        %parallel_loop3A_260 = vector.extract_strided_slice %parallel_loop3A_119 {offsets = [10], sizes = [1], strides = [1]} : vector<16xi32> to vector<1xi32>
        %parallel_loop3A_261 = vector.extract %parallel_loop3A_260[0] : i32 from vector<1xi32>
        %parallel_loop3A_262 = arith.index_cast %parallel_loop3A_261 : i32 to index
        %parallel_loop3A_263 = arith.constant 0 : index
        %parallel_loop3A_264 = tpu.vector_load %arg8[%parallel_loop3A_262, %parallel_loop3A_263] {strides = array<i32>} : memref<512x16xf32, #tpu.memory_space<vmem>>, vector<16xf32>,
        %parallel_loop3A_265 = vector.extract_strided_slice %parallel_loop3A_101 {offsets = [10], sizes = [1], strides = [1]} : vector<16xi32> to vector<1xi32>
        %parallel_loop3A_266 = vector.extract %parallel_loop3A_265[0] : i32 from vector<1xi32>
        %parallel_loop3A_267 = vector.extract_strided_slice %parallel_loop3A_114 {offsets = [10], sizes = [1], strides = [1]} : vector<16xf32> to vector<1xf32>
        %parallel_loop3A_268 = vector.extract %parallel_loop3A_267[0] : f32 from vector<1xf32>
        %parallel_loop3A_269 = vector.broadcast %parallel_loop3A_268 : f32 to vector<16xf32>
        %parallel_loop3A_270 = arith.mulf %parallel_loop3A_264, %parallel_loop3A_269 : vector<16xf32>
        %parallel_loop3A_271 = arith.index_cast %parallel_loop3A_266 : i32 to index
        %parallel_loop3A_272 = arith.constant 0 : index
        %parallel_loop3A_273 = tpu.vector_load %arg9[%parallel_loop3A_271, %parallel_loop3A_272] {strides = array<i32>} : memref<4096x16xf32, #tpu.memory_space<vmem>>, vector<16xf32>,
        tpu.vector_store %arg9[%parallel_loop3A_271, %parallel_loop3A_272], %parallel_loop3A_270 {add = true, strides = array<i32>} : memref<4096x16xf32, #tpu.memory_space<vmem>>, vector<16xf32>,
        %parallel_loop3A_274 = vector.extract_strided_slice %parallel_loop3A_119 {offsets = [11], sizes = [1], strides = [1]} : vector<16xi32> to vector<1xi32>
        %parallel_loop3A_275 = vector.extract %parallel_loop3A_274[0] : i32 from vector<1xi32>
        %parallel_loop3A_276 = arith.index_cast %parallel_loop3A_275 : i32 to index
        %parallel_loop3A_277 = arith.constant 0 : index
        %parallel_loop3A_278 = tpu.vector_load %arg8[%parallel_loop3A_276, %parallel_loop3A_277] {strides = array<i32>} : memref<512x16xf32, #tpu.memory_space<vmem>>, vector<16xf32>,
        %parallel_loop3A_279 = vector.extract_strided_slice %parallel_loop3A_101 {offsets = [11], sizes = [1], strides = [1]} : vector<16xi32> to vector<1xi32>
        %parallel_loop3A_280 = vector.extract %parallel_loop3A_279[0] : i32 from vector<1xi32>
        %parallel_loop3A_281 = vector.extract_strided_slice %parallel_loop3A_114 {offsets = [11], sizes = [1], strides = [1]} : vector<16xf32> to vector<1xf32>
        %parallel_loop3A_282 = vector.extract %parallel_loop3A_281[0] : f32 from vector<1xf32>
        %parallel_loop3A_283 = vector.broadcast %parallel_loop3A_282 : f32 to vector<16xf32>
        %parallel_loop3A_284 = arith.mulf %parallel_loop3A_278, %parallel_loop3A_283 : vector<16xf32>
        %parallel_loop3A_285 = arith.index_cast %parallel_loop3A_280 : i32 to index
        %parallel_loop3A_286 = arith.constant 0 : index
        %parallel_loop3A_287 = tpu.vector_load %arg9[%parallel_loop3A_285, %parallel_loop3A_286] {strides = array<i32>} : memref<4096x16xf32, #tpu.memory_space<vmem>>, vector<16xf32>,
        tpu.vector_store %arg9[%parallel_loop3A_285, %parallel_loop3A_286], %parallel_loop3A_284 {add = true, strides = array<i32>} : memref<4096x16xf32, #tpu.memory_space<vmem>>, vector<16xf32>,
        %parallel_loop3A_288 = vector.extract_strided_slice %parallel_loop3A_119 {offsets = [12], sizes = [1], strides = [1]} : vector<16xi32> to vector<1xi32>
        %parallel_loop3A_289 = vector.extract %parallel_loop3A_288[0] : i32 from vector<1xi32>
        %parallel_loop3A_290 = arith.index_cast %parallel_loop3A_289 : i32 to index
        %parallel_loop3A_291 = arith.constant 0 : index
        %parallel_loop3A_292 = tpu.vector_load %arg8[%parallel_loop3A_290, %parallel_loop3A_291] {strides = array<i32>} : memref<512x16xf32, #tpu.memory_space<vmem>>, vector<16xf32>,
        %parallel_loop3A_293 = vector.extract_strided_slice %parallel_loop3A_101 {offsets = [12], sizes = [1], strides = [1]} : vector<16xi32> to vector<1xi32>
        %parallel_loop3A_294 = vector.extract %parallel_loop3A_293[0] : i32 from vector<1xi32>
        %parallel_loop3A_295 = vector.extract_strided_slice %parallel_loop3A_114 {offsets = [12], sizes = [1], strides = [1]} : vector<16xf32> to vector<1xf32>
        %parallel_loop3A_296 = vector.extract %parallel_loop3A_295[0] : f32 from vector<1xf32>
        %parallel_loop3A_297 = vector.broadcast %parallel_loop3A_296 : f32 to vector<16xf32>
        %parallel_loop3A_298 = arith.mulf %parallel_loop3A_292, %parallel_loop3A_297 : vector<16xf32>
        %parallel_loop3A_299 = arith.index_cast %parallel_loop3A_294 : i32 to index
        %parallel_loop3A_300 = arith.constant 0 : index
        %parallel_loop3A_301 = tpu.vector_load %arg9[%parallel_loop3A_299, %parallel_loop3A_300] {strides = array<i32>} : memref<4096x16xf32, #tpu.memory_space<vmem>>, vector<16xf32>,
        tpu.vector_store %arg9[%parallel_loop3A_299, %parallel_loop3A_300], %parallel_loop3A_298 {add = true, strides = array<i32>} : memref<4096x16xf32, #tpu.memory_space<vmem>>, vector<16xf32>,
        %parallel_loop3A_302 = vector.extract_strided_slice %parallel_loop3A_119 {offsets = [13], sizes = [1], strides = [1]} : vector<16xi32> to vector<1xi32>
        %parallel_loop3A_303 = vector.extract %parallel_loop3A_302[0] : i32 from vector<1xi32>
        %parallel_loop3A_304 = arith.index_cast %parallel_loop3A_303 : i32 to index
        %parallel_loop3A_305 = arith.constant 0 : index
        %parallel_loop3A_306 = tpu.vector_load %arg8[%parallel_loop3A_304, %parallel_loop3A_305] {strides = array<i32>} : memref<512x16xf32, #tpu.memory_space<vmem>>, vector<16xf32>,
        %parallel_loop3A_307 = vector.extract_strided_slice %parallel_loop3A_101 {offsets = [13], sizes = [1], strides = [1]} : vector<16xi32> to vector<1xi32>
        %parallel_loop3A_308 = vector.extract %parallel_loop3A_307[0] : i32 from vector<1xi32>
        %parallel_loop3A_309 = vector.extract_strided_slice %parallel_loop3A_114 {offsets = [13], sizes = [1], strides = [1]} : vector<16xf32> to vector<1xf32>
        %parallel_loop3A_310 = vector.extract %parallel_loop3A_309[0] : f32 from vector<1xf32>
        %parallel_loop3A_311 = vector.broadcast %parallel_loop3A_310 : f32 to vector<16xf32>
        %parallel_loop3A_312 = arith.mulf %parallel_loop3A_306, %parallel_loop3A_311 : vector<16xf32>
        %parallel_loop3A_313 = arith.index_cast %parallel_loop3A_308 : i32 to index
        %parallel_loop3A_314 = arith.constant 0 : index
        %parallel_loop3A_315 = tpu.vector_load %arg9[%parallel_loop3A_313, %parallel_loop3A_314] {strides = array<i32>} : memref<4096x16xf32, #tpu.memory_space<vmem>>, vector<16xf32>,
        tpu.vector_store %arg9[%parallel_loop3A_313, %parallel_loop3A_314], %parallel_loop3A_312 {add = true, strides = array<i32>} : memref<4096x16xf32, #tpu.memory_space<vmem>>, vector<16xf32>,
        %parallel_loop3A_316 = vector.extract_strided_slice %parallel_loop3A_119 {offsets = [14], sizes = [1], strides = [1]} : vector<16xi32> to vector<1xi32>
        %parallel_loop3A_317 = vector.extract %parallel_loop3A_316[0] : i32 from vector<1xi32>
        %parallel_loop3A_318 = arith.index_cast %parallel_loop3A_317 : i32 to index
        %parallel_loop3A_319 = arith.constant 0 : index
        %parallel_loop3A_320 = tpu.vector_load %arg8[%parallel_loop3A_318, %parallel_loop3A_319] {strides = array<i32>} : memref<512x16xf32, #tpu.memory_space<vmem>>, vector<16xf32>,
        %parallel_loop3A_321 = vector.extract_strided_slice %parallel_loop3A_101 {offsets = [14], sizes = [1], strides = [1]} : vector<16xi32> to vector<1xi32>
        %parallel_loop3A_322 = vector.extract %parallel_loop3A_321[0] : i32 from vector<1xi32>
        %parallel_loop3A_323 = vector.extract_strided_slice %parallel_loop3A_114 {offsets = [14], sizes = [1], strides = [1]} : vector<16xf32> to vector<1xf32>
        %parallel_loop3A_324 = vector.extract %parallel_loop3A_323[0] : f32 from vector<1xf32>
        %parallel_loop3A_325 = vector.broadcast %parallel_loop3A_324 : f32 to vector<16xf32>
        %parallel_loop3A_326 = arith.mulf %parallel_loop3A_320, %parallel_loop3A_325 : vector<16xf32>
        %parallel_loop3A_327 = arith.index_cast %parallel_loop3A_322 : i32 to index
        %parallel_loop3A_328 = arith.constant 0 : index
        %parallel_loop3A_329 = tpu.vector_load %arg9[%parallel_loop3A_327, %parallel_loop3A_328] {strides = array<i32>} : memref<4096x16xf32, #tpu.memory_space<vmem>>, vector<16xf32>,
        tpu.vector_store %arg9[%parallel_loop3A_327, %parallel_loop3A_328], %parallel_loop3A_326 {add = true, strides = array<i32>} : memref<4096x16xf32, #tpu.memory_space<vmem>>, vector<16xf32>,
        %parallel_loop3A_330 = vector.extract_strided_slice %parallel_loop3A_119 {offsets = [15], sizes = [1], strides = [1]} : vector<16xi32> to vector<1xi32>
        %parallel_loop3A_331 = vector.extract %parallel_loop3A_330[0] : i32 from vector<1xi32>
        %parallel_loop3A_332 = arith.index_cast %parallel_loop3A_331 : i32 to index
        %parallel_loop3A_333 = arith.constant 0 : index
        %parallel_loop3A_334 = tpu.vector_load %arg8[%parallel_loop3A_332, %parallel_loop3A_333] {strides = array<i32>} : memref<512x16xf32, #tpu.memory_space<vmem>>, vector<16xf32>,
        %parallel_loop3A_335 = vector.extract_strided_slice %parallel_loop3A_101 {offsets = [15], sizes = [1], strides = [1]} : vector<16xi32> to vector<1xi32>
        %parallel_loop3A_336 = vector.extract %parallel_loop3A_335[0] : i32 from vector<1xi32>
        %parallel_loop3A_337 = vector.extract_strided_slice %parallel_loop3A_114 {offsets = [15], sizes = [1], strides = [1]} : vector<16xf32> to vector<1xf32>
        %parallel_loop3A_338 = vector.extract %parallel_loop3A_337[0] : f32 from vector<1xf32>
        %parallel_loop3A_339 = vector.broadcast %parallel_loop3A_338 : f32 to vector<16xf32>
        %parallel_loop3A_340 = arith.mulf %parallel_loop3A_334, %parallel_loop3A_339 : vector<16xf32>
        %parallel_loop3A_341 = arith.index_cast %parallel_loop3A_336 : i32 to index
        %parallel_loop3A_342 = arith.constant 0 : index
        %parallel_loop3A_343 = tpu.vector_load %arg9[%parallel_loop3A_341, %parallel_loop3A_342] {strides = array<i32>} : memref<4096x16xf32, #tpu.memory_space<vmem>>, vector<16xf32>,
        tpu.vector_store %arg9[%parallel_loop3A_341, %parallel_loop3A_342], %parallel_loop3A_340 {add = true, strides = array<i32>} : memref<4096x16xf32, #tpu.memory_space<vmem>>, vector<16xf32>,
      } {sc.loop_unroll_factor = 4 : i64, sc.parallel_access}
    }
    %mul3A_78 = arith.constant 16 : i32
    %mul3A_79 = arith.muli %and3A_1, %mul3A_78 : i32
    "tpu.region"() ({
      %run_scoped3A = tpu.sem_alloc : memref<!tpu.dma_semaphore, #tpu.memory_space<semaphore_mem>>
      %dma_start3A = arith.constant 0 : i32
      %dma_start3A_80 = tpu.memref_slice %arg7[%shift_right_arithmetic3A_2, %dma_start3A, %mul3A_79] : memref<8x4096x64xf32, #tpu.memory_space<hbm>> -> memref<1x4096x16xf32, #tpu.memory_space<hbm>>
      %dma_start3A_81 = tpu.memref_squeeze %dma_start3A_80 : memref<1x4096x16xf32, #tpu.memory_space<hbm>> -> memref<4096x16xf32, #tpu.memory_space<hbm>>
      %dma_start3A_82 = arith.constant 0 : i32
      %dma_start3A_83 = tpu.memref_slice %arg7[%shift_right_arithmetic3A_2, %dma_start3A_82, %mul3A_79] : memref<8x4096x64xf32, #tpu.memory_space<hbm>> -> memref<1x4096x16xf32, #tpu.memory_space<hbm>>
      %dma_start3A_84 = tpu.memref_squeeze %dma_start3A_83 : memref<1x4096x16xf32, #tpu.memory_space<hbm>> -> memref<4096x16xf32, #tpu.memory_space<hbm>>
      tpu.enqueue_dma source(%arg9 : memref<4096x16xf32, #tpu.memory_space<vmem>>) target(%dma_start3A_84 : memref<4096x16xf32, #tpu.memory_space<hbm>>) target_semaphore(%run_scoped3A : memref<!tpu.dma_semaphore, #tpu.memory_space<semaphore_mem>>)
      %dma_wait3A = arith.constant 0 : i32
      %dma_wait3A_85 = tpu.memref_slice %arg7[%shift_right_arithmetic3A_2, %dma_wait3A, %mul3A_79] : memref<8x4096x64xf32, #tpu.memory_space<hbm>> -> memref<1x4096x16xf32, #tpu.memory_space<hbm>>
      %dma_wait3A_86 = tpu.memref_squeeze %dma_wait3A_85 : memref<1x4096x16xf32, #tpu.memory_space<hbm>> -> memref<4096x16xf32, #tpu.memory_space<hbm>>
      %dma_wait3A_87 = arith.constant 0 : i32
      %dma_wait3A_88 = tpu.memref_slice %arg7[%shift_right_arithmetic3A_2, %dma_wait3A_87, %mul3A_79] : memref<8x4096x64xf32, #tpu.memory_space<hbm>> -> memref<1x4096x16xf32, #tpu.memory_space<hbm>>
      %dma_wait3A_89 = tpu.memref_squeeze %dma_wait3A_88 : memref<1x4096x16xf32, #tpu.memory_space<hbm>> -> memref<4096x16xf32, #tpu.memory_space<hbm>>
      tpu.wait_dma2 semaphore(%run_scoped3A : memref<!tpu.dma_semaphore, #tpu.memory_space<semaphore_mem>>) src(%arg9 : memref<4096x16xf32, #tpu.memory_space<vmem>>) dst(%dma_wait3A_89 : memref<4096x16xf32, #tpu.memory_space<hbm>>)
      tpu.yield
    }) : () -> ()
    return
  }
}

</mosaic_0001>

<sc_bundles>
// kernel: kernel.3.cloned.1.call-start
scs
__scs_entry_jumppad:
0x0: {  	(pc) =	sbr.rel $0x88, $3  }
0x1: {  	(tag) =	ssettag $0x0;
	lr =	simm.s32 $0x1  }
0x2: {  	[smem:$0x3F9D] =	sst lr;
	_ =	strace $0xD0000000  }
0x3: {  	_ = 	snop  }
0x4: {  	_ = 	snop  }
0x5: {  	_ = 	snop  }
0x6: {  	_ = 	snop  }
0x7: {  	_ = 	snop  }
__scs_overlays_trampoline_lowered:
0x8: {  	[smem:$0x3FAC] =	sst s0  }
0x9: {  	[smem:$0x3FAD] =	sst s1  }
0xa: {  	[smem:$0x3FAE] =	sst s2  }
0xb: {  	[smem:$0x3FAF] =	sst s3  }
0xc: {  	[smem:$0x3FB0] =	sst s4  }
0xd: {  	[smem:$0x3FB1] =	sst s5  }
0xe: {  	[smem:$0x3FB2] =	sst s6  }
0xf: {  	[smem:$0x3FB3] =	sst s7  }
0x10: {  	[smem:$0x3FB4] =	sst s8  }
0x11: {  	[smem:$0x3FB5] =	sst s9;
	s0 =	simm.s32 @!p0 $0x0  }
0x12: {  	s1 =	sld [smem:$0x3F9B];
	s0 =	simm.s32 @p0 $0x1  }
0x13: {  	[smem:$0x3FB6] =	sst s0;
	s0 =	simm.s32 @!p1 $0x0  }
0x14: {  	s2 =	sld [smem:$0x3F9A];
	s0 =	simm.s32 @p1 $0x1  }
0x15: {  	[smem:$0x3FB7] =	sst s0;
	s0 =	simm.s32 @!p2 $0x0  }
0x16: {  	s3 =	sld [smem:$0x3FDB];
	s0 =	simm.s32 @p2 $0x1  }
0x17: {  	s4 =	simm.s32 $0x1BF5;
	[smem:$0x3FB9] =	sst s0  }
0x18: {  	s0 =	sld [smem:$0x3F9C];
	_ =	swait.ge [sflag:s4], $0x0  }
0x19: {  	s7 =	sld [smem:$0x3F9D]  }
0x1a: {  	s8 =	sadd.s32 $0xFFFFE003, lr  }
0x1b: {  	s9 =	sadd.s32 $0xFFFFFEF7, lr;
	s5 =	simm.s32 $0xFFFFFFFF;
	p2 =	slt.u32 s8, $0xFFFFF086  }
0x1c: {  	p1 =	slt.u32 s9, $0xF7A;
	s5 =	simm.s32 @!p2 $0x0  }
0x1d: {  	s5 =	simm.s32 @p1 $0x1;
	p0 =	seq.s32 s7, s2  }
0x1e: {  	s7 =	smul.u32 @!p0 $0xF7A, s2;
	p2 =	seq.s32 @!p0 s5, $0x0  }
0x1f: {  	s9 =	smul.u32 $0xF7A, s1;
	s8 =	simm.s32 @!p0 $0x1BF5;
	p2 =	por !p2, p0  }
0x20: {  	[sflag:s8] =	ssyncset.s32 @!p0 $0xFFFFF086;
	s6 =	sadd.s32 @!p0 s3, s7;
	s7 =	simm.s32 @!p0 $0x108  }
0x21: {  	s3 =	sadd.s32 s3, s9;
	s6 =	sadd.s32 @!p0 $0x88, s6;
	s7 =	simm.s32 @p2 $0x1082  }
0x22: {  	[simem:s7], [sflag:s8] =	dma.local @!p0 [hbm:s6], $0xF7A  }
0x23: {  	s9 =	sor.u32 $0xD0000000, s2;
	s6 =	simm.s32 $0x108;
	_ =	swait.ge @!p0 [sflag:s8], $0x0  }
0x24: {  	s3 =	sadd.s32 $0x88, s3;
	s6 =	simm.s32 @!p1 $0x1082;
	[sflag:s4] =	ssyncset.s32 $0xFFFFF086  }
0x25: {  	[simem:s6], [sflag:s4] =	dma.local [hbm:s3], $0xF7A  }
0x26: {  	[smem:$0x3F9D] =	sst s1;
	(tag) =	ssettag s2;
	_ =	strace s9  }
0x27: {  	s1 =	sld [smem:$0x3FAD]  }
0x28: {  	s2 =	sld [smem:$0x3FAE]  }
0x29: {  	s4 =	sld [smem:$0x3FB0]  }
0x2a: {  	p0 =	seq.s32 s5, $0x0;
	s5 =	sld [smem:$0x3FB1]  }
0x2b: {  	s6 =	sld [smem:$0x3FB2]  }
0x2c: {  	s7 =	sld [smem:$0x3FB3]  }
0x2d: {  	s3 =	simm.s32 $0x108;
	s8 =	sld [smem:$0x3FB4]  }
0x2e: {  	s3 =	simm.s32 @!p0 $0x1082;
	s9 =	sld [smem:$0x3FB5]  }
0x2f: {  	lr =	sadd.s32 s0, s3;
	s0 =	sld [smem:$0x3FAC]  }
0x30: {  	s3 =	sld [smem:$0x3FAF]  }
0x31: {  	[smem:$0x3FB8] =	sst s10  }
0x32: {  	s10 =	sld [smem:$0x3FB6];
	_ =	sdelay $0x3  }
0x33: {  	p0 =	seq.s32 s10, $0x1;
	s10 =	sld [smem:$0x3FB8];
	_ =	sdelay $0x3  }
0x34: {  	[smem:$0x3FB8] =	sst s10  }
0x35: {  	s10 =	sld [smem:$0x3FB7];
	_ =	sdelay $0x3  }
0x36: {  	p1 =	seq.s32 s10, $0x1;
	s10 =	sld [smem:$0x3FB8];
	_ =	sdelay $0x3  }
0x37: {  	[smem:$0x3FB8] =	sst s10  }
0x38: {  	s10 =	sld [smem:$0x3FB9]  }
0x39: {  	_ = 	snop;
	(pc) =	sbr.ind lr, $3  }
0x3a: {  	_ = 	snop  }
0x3b: {  	_ = 	snop  }
0x3c: {  	p2 =	seq.s32 s10, $0x1;
	s10 =	sld [smem:$0x3FB8]  }
0x3d: {  	_ =	shalt  }
0x3e: {  	_ =	shalt  }
0x3f: {  	_ =	shalt  }
0x40: {  	_ =	shalt  }
0x41: {  	_ =	shalt  }
0x42: {  	_ =	shalt  }
0x43: {  	_ =	shalt  }
0x44: {  	_ =	shalt  }
0x45: {  	_ =	shalt  }
0x46: {  	_ =	shalt  }
0x47: {  	_ =	shalt  }
0x48: {  	_ =	shalt  }
0x49: {  	_ =	shalt  }
0x4a: {  	_ =	shalt  }
0x4b: {  	_ =	shalt  }
0x4c: {  	_ =	shalt  }
0x4d: {  	_ =	shalt  }
0x4e: {  	_ =	shalt  }
0x4f: {  	_ =	shalt  }
0x50: {  	_ =	shalt  }
0x51: {  	_ =	shalt  }
0x52: {  	_ =	shalt  }
0x53: {  	_ =	shalt  }
0x54: {  	_ =	shalt  }
0x55: {  	_ =	shalt  }
0x56: {  	_ =	shalt  }
0x57: {  	_ =	shalt  }
0x58: {  	_ =	shalt  }
0x59: {  	_ =	shalt  }
0x5a: {  	_ =	shalt  }
0x5b: {  	_ =	shalt  }
0x5c: {  	_ =	shalt  }
0x5d: {  	_ =	shalt  }
0x5e: {  	_ =	shalt  }
0x5f: {  	_ =	shalt  }
0x60: {  	_ =	shalt  }
0x61: {  	_ =	shalt  }
0x62: {  	_ =	shalt  }
0x63: {  	_ =	shalt  }
0x64: {  	_ =	shalt  }
0x65: {  	_ =	shalt  }
0x66: {  	_ =	shalt  }
0x67: {  	_ =	shalt  }
0x68: {  	_ =	shalt  }
0x69: {  	_ =	shalt  }
0x6a: {  	_ =	shalt  }
0x6b: {  	_ =	shalt  }
0x6c: {  	_ =	shalt  }
0x6d: {  	_ =	shalt  }
0x6e: {  	_ =	shalt  }
0x6f: {  	_ =	shalt  }
0x70: {  	_ =	shalt  }
0x71: {  	_ =	shalt  }
0x72: {  	_ =	shalt  }
0x73: {  	_ =	shalt  }
0x74: {  	_ =	shalt  }
0x75: {  	_ =	shalt  }
0x76: {  	_ =	shalt  }
0x77: {  	_ =	shalt  }
0x78: {  	_ =	shalt  }
0x79: {  	_ =	shalt  }
0x7a: {  	_ =	shalt  }
0x7b: {  	_ =	shalt  }
0x7c: {  	_ =	shalt  }
0x7d: {  	_ =	shalt  }
0x7e: {  	_ =	shalt  }
0x7f: {  	_ =	shalt  }
0x80: {  	_ =	shalt  }
0x81: {  	_ =	shalt  }
0x82: {  	_ =	shalt  }
0x83: {  	_ =	shalt  }
0x84: {  	_ =	shalt  }
0x85: {  	_ =	shalt  }
0x86: {  	_ =	shalt  }
0x87: {  	_ =	shalt  }
.Lfunc_end0:
.L_simem_size_0:
called_computation_lowered:
.L_overlay_start_0:
0x88: {  	s2 =	sld [smem:$0x3FD9]  }
0x89: {  	s3 =	sld [smem:$0x3FFE];
	_ =	sdelay $0x1  }
0x8a: {  	s1 =	srdreg.scid  }
0x8b: {  	s0 =	sand.u32 $0x1, s1  }
0x8c: {  	s17 =	sshll.u32 s0, $0xA;
	s2 =	sadd.s32 s3, s2  }
0x8d: {  	s2 =	sadd.s32 s2, s17  }
0x8e: {  	[smem:$0x3FC4] =	sst s2  }
0x8f: {  	_ = 	snop  }
0x90: {  	s2 =	sld [smem:$0x3FD0];
	(tm) =	ssettm $0x1  }
0x91: {  	s18 =	sld [smem:$0x3FFB];
	_ =	sdelay $0x3  }
0x92: {  	_ =	strace s18  }
0x93: {  	s3 =	sld [smem:$0x3FFC];
	_ =	sdelay $0x3  }
0x94: {  	_ =	strace s3  }
0x95: {  	s3 =	sld [smem:$0x3FFD];
	_ =	sdelay $0x3  }
0x96: {  	_ =	strace s3  }
0x97: {  	_ =	strace $0x8FFFFFFF  }
0x98: {  	s19 =	sld [smem:$0x3FDB];
	_ =	sdelay $0x1  }
0x99: {  	s4 =	simm.s32 $_scs_section_size  }
0x9a: {  	s5 =	simm.s32 $_size__tile_overlayer_lowered;
	s6 =	simm.s32 $_tile_overlayer_lowered  }
0x9b: {  	s22 =	simm.s32 $0x1BFF;
	s21 =	sshll.u32 s6, $0x1;
	s3 =	sadd.s32 s4, s19  }
0x9c: {  	s7 =	simm.s32 $0x0;
	s20 =	sshll.u32 s5, $0x1;
	s5 =	sadd.s32 s21, s3  }
0x9d: {  	[timem:s7], [sflag:s22] =	dma.local [hbm:s5], s20  }
0x9e: {  	_ =	swait.ge [sflag:s22], s20  }
0x9f: {  	s4 =	ssub.s32 $0x0, s20;
	[sflag:s22] =	ssyncset.done $0x0  }
0xa0: {  	[sflag:s22] =	ssyncadd.s32 s4;
	_ =	sdelay $0x1  }
0xa1: {  	s23 =	simm.s32 $0x1B8B  }
0xa2: {  	_ =	swait.ge [sflag:s23], $0x1  }
0xa3: {  	[sflag:s23] =	ssyncset.done $0x0  }
0xa4: {  	s25 =	simm.s32 $0x1B8E;
	s24 =	sld [smem:$0x3FFE];
	[sflag:s23] =	ssyncadd.s32 $0xFFFFFFFF  }
0xa5: {  	s26 =	simm.s32 $execute0_lowered;
	[smem:$0x3FD2] =	sst s25  }
0xa6: {  	s5 =	sshll.u32 s26, $0x1;
	_ =	strace $0x80000046;
	[dreg:$0x1] =	wrdreg $0xFFFFFFFF  }
0xa7: {  	s28 =	simm.s32 $_size_execute0_lowered;
	s3 =	sadd.s32 s3, s5;
	[dreg:$0x0] =	wrdreg $0x0  }
0xa8: {  	s5 =	sshll.u32 s28, $0x1;
	[dreg:$0x2] =	wrdreg s3  }
0xa9: {  	[dreg:$0x3] =	wrdreg s5  }
0xaa: {  	[dreg:$0x4] =	wrdreg $0xC0  }
0xab: {  	_ =	task [dreg:s7], $0x5FFFF  }
0xac: {  	[dreg:$0x1] =	wrdreg $0xFFFFFFFF  }
0xad: {  	[dreg:$0x0] =	wrdreg $0x60  }
0xae: {  	[dreg:$0x2] =	wrdreg s24  }
0xaf: {  	[dreg:$0x3] =	wrdreg s2  }
0xb0: {  	[dreg:$0x4] =	wrdreg $0x9  }
0xb1: {  	_ =	task.clear_ibuf [dreg:s7], $0x5FFFF;
	_ =	strace $0x90000046  }
0xb2: {  	s29 =	simm.s32 $0x9;
	_ =	strace $0x80000048  }
0xb3: {  	_ =	swait.ge [sflag:s29], $0x1  }
0xb4: {  	[sflag:s29] =	ssyncadd.s32 $0xFFFFFFFF  }
0xb5: {  	_ =	strace $0x90000048  }
0xb6: {  	_ =	sfence  }
0xb7: {  	s30 =	sld [smem:$0x0];
	_ =	sdelay $0x2  }
0xb8: {  	s31 =	sshll.u32 s1, $0xD;
	s1 =	sshrl.u32 s1, $0x2  }
0xb9: {  	s3 =	sand.u32 $0x4000, s31;
	s1 =	sadd.s32 s1, s30  }
0xba: {  	s0 =	sor.u32 s3, s0;
	s1 =	sshll.u32 s1, $0x11  }
0xbb: {  	s0 =	sor.u32 s1, s0  }
0xbc: {  	s0 =	sadd.s32 $0x8F2B, s0  }
0xbd: {  	[sflag:s0] =	ssyncadd.remote.s32 $0x1  }
0xbe: {  	_ =	sfence.sel $0xFFFF  }
0xbf: {  	[dreg:$0x0] =	wrdreg $0xFFFFFFFF;
	(pc) =	sbr.abs _section_cstart, $3  }
0xc0: {  	[dreg:$0x1] =	wrdreg $0xFFFFFFFF  }
0xc1: {  	_ =	task.clear_ibuf [dreg:s7], $0x2FFFF;
	_ =	strace $0x9FFFFFFF  }
0xc2: {  	(tm) =	ssettm $0x7FFFFFFF  }
0xc3: {  	_ =	shalt  }
tec
execute0_lowered:
.L_overlay_start_1:
0x0: {  	(tag) =	ssettag $0x1  }
0x1: {  	s1 =	rddreg [dreg:$0x0]  }
0x2: {  	s0 =	rddreg [dreg:$0x1];
	s3 =	simm.s32 $0x0  }
0x3: {  	s4 =	srdreg.scid;
	s2 =	stileid.u32;
	s13 =	simm.s32 $0x2000  }
0x4: {  	s16 =	simm.s32 $0x13000;
	s17 =	simm.s32 $0x0;
	[smem:$0x7FF] =	sst s3  }
0x5: {  	s7 =	sand.u32 $0x1, s4;
	s28 =	sshll.u32 s2, $0x5;
	s12 =	sshrl.u32 s2, $0x1  }
0x6: {  	s4 =	sadd.s32 $0x5400, s1;
	s2 =	simm.s32 $0x10;
	_ =	strace $0x80000047  }
0x7: {  	s5 =	sshll.u32 s7, $0x4;
	s6 =	sand.u32 $0x20, s28;
	s9 =	sshll.u32 s12, $0x12  }
0x8: {  	s7 =	ssub.s32 $0x2, s7;
	s10 =	sshll.u32 s12, $0xF;
	s15 =	sshll.u32 s12, $0x9  }
0x9: {  	s31 =	sadd.s32 $0x1, s12;
	v2 =	vmov s12;
	s12 =	simm.s32 $0x1;
	s8 =	sor.u32 s5, s6  }
.Ltmp0:
0xa: {  	s5 =	sadd.s32 $0xA600, s1;
	s6 =	sadd.s32 $0x5200, s1;
	(pc) =	sbr.rel .LBB2_1-.Ltmp0, $4  }
0xb: {  	s11 =	sshrl.u32 s7, $0x1;
	v1 =	vmov s15;
	s15 =	simm.s32 $0x12000;
	s9 =	sor.u32 s9, s8  }
0xc: {  	s8 =	sor.u32 s10, s8;
	s29 =	ssub.s32 s7, s11;
	s9 =	sshrl.u32 s9, $0x3  }
0xd: {  	v0 =	vlaneseq.u32;
	v3 =	vmov s31;
	s11 =	simm.s32 $0x40;
	s30 =	sshrl.u32 s8, $0x3;
	s9 =	sadd.s32 s9, s1  }
0xe: {  	vm1 =	veq.s32 v2, v0;
	vm0 =	veq.s32 v3, v0;
	s7 =	sadd.s32 s0, s30;
	s8 =	sadd.s32 $0xC600, s9;
	s9 =	smax.u32 s29, $0x1  }
.LBB2_6:
0xf: {  	s17 =	sadd.s32 $0x1, s17  }
0x10: {  	p0 =	sne.s32 s17, s9  }
.Ltmp1:
0x11: {  	s2 =	simm.s32 $0x10;
	(pc) =	sbr.rel @!p0 .LBB2_7-.Ltmp1, $4  }
0x12: {  	[hbm4b:s8+s2] =	stream.strided.scatter [tilespmem:s13], [sflag:$0x1], $0x10000, s11, s2, $0x38;
	[tilespmem:$0x14010] =	vst v63  }
0x13: {  	_ =	swait.ge [sflag:s12], $0x10000  }
0x14: {  	[sflag:s12] =	ssyncset.done $0x0  }
0x15: {  	[sflag:s12] =	ssyncadd.s32 $0xFFFF0000  }
.LBB2_1:
0x16: {  	[tilespmem:s3], [sflag:$0x1] =	stream.strided.gather [hbm4b:s7+s2], $0x2000, s11, s2, $0x38;
	[tilespmem:$0x14010] =	vst v63  }
0x17: {  	_ =	swait.ge [sflag:s12], $0x2000  }
0x18: {  	[sflag:s12] =	ssyncset.done $0x0  }
0x19: {  	[sflag:s12] =	ssyncadd.s32 $0xFFFFE000  }
0x1a: {  	[tilespmem:s13], [sflag:$0x1] =	stream.linear.gather [hbm4b:s5+s3], $0x10000, $0x38;
	[tilespmem:$0x14010] =	vst v63  }
0x1b: {  	_ =	swait.ge [sflag:s12], $0x10000  }
0x1c: {  	[sflag:s12] =	ssyncset.done $0x0  }
0x1d: {  	s0 =	simm.s32 $0x14000;
	[sflag:s12] =	ssyncadd.s32 $0xFFFF0000  }
0x1e: {  	[tilespmem:s0], [sflag:$0x1] =	stream.linear.gather [hbm4b:s6+s3], $0x10, $0x38;
	[tilespmem:$0x14010] =	vst v63  }
0x1f: {  	_ =	swait.ge [sflag:s12], $0x10  }
0x20: {  	[sflag:s12] =	ssyncset.done $0x0  }
0x21: {  	[sflag:s12] =	ssyncadd.s32 $0xFFFFFFF0  }
0x22: {  	v2 =	vld [tilespmem:$0x14000];
	_ =	sdelay $0x4  }
0x23: {  	v3 =	vnsel vm1, $0x0, v2  }
0x24: {  	v2 =	vnsel vm0, $0x0, v2;
	(xrf0) =	vadd.scan.msk.s32 $0xffff, v3  }
0x25: {  	(xrf0) =	vadd.scan.msk.s32 $0xffff, v2;
	_ =	sdelay $0x4  }
0x26: {  	v2, _, _ =	vpop (xrf0)  }
0x27: {  	(v2sf) =	vpush v2, $0xF;
	v3, _, _ =	vpop (xrf0)  }
0x28: {  	(v2sf) =	vpush v3, $0xF;
	_ =	sdelay $0xd  }
0x29: {  	s28 =	spop (v2sf)  }
0x2a: {  	s18 =	sshra.s32 s28, $0x1F;
	s19 =	spop (v2sf);
	s20 =	sand.u32 $0xFFF, s28  }
0x2b: {  	p0 =	slt.s32 s28, $0x1;
	s18 =	sshrl.u32 s18, $0x14;
	s19 =	sadd.s32 $0xFFF, s19  }
0x2c: {  	p1 =	sne.s32 s20, $0x0;
	s20 =	simm.s32 $0x1;
	s18 =	sadd.s32 s18, s28  }
0x2d: {  	s29 =	sand.u32 $0xFFF, s19;
	p0 =	por !p0, !p1;
	p6 =	slt.s32 s19, $0x1  }
0x2e: {  	s31 =	sshra.s32 s19, $0x1F;
	p2 =	sne.s32 s29, $0x0;
	s30 =	sshra.s32 s18, $0xC  }
0x2f: {  	p0 =	por !p0, !p0;
	s18 =	sshrl.u32 s31, $0x14;
	p1 =	por !p6, !p2  }
0x30: {  	s18 =	sadd.s32 s18, s19;
	s19 =	simm.s32 $0x1;
	p1 =	por !p1, !p1  }
0x31: {  	s20 =	simm.s32 @!p0 $0x0;
	s21 =	sshra.s32 s18, $0xC;
	s19 =	simm.s32 @!p1 $0x0  }
0x32: {  	s18 =	ssub.s32 s30, s20;
	s19 =	ssub.s32 s21, s19  }
0x33: {  	p0 =	sge.s32 s18, s19  }
.Ltmp2:
0x34: {  	_ = 	snop;
	(pc) =	sbr.rel @p0 .LBB2_6-.Ltmp2, $1  }
0x35: {  	_ =	sdelay $0x3  }
0x36: {  	s0 =	sshll.u32 s18, $0xC  }
0x37: {  	v2 =	vbroadcast v2, $0xF;
	v3 =	vbroadcast v3, $0xF;
	s20 =	sor.u32 $0x30, s0  }
.LBB2_3:
0x38: {  	s0 =	sshll.u32 s18, $0x9  }
0x39: {  	s0 =	sand.u32 $0x1FFFFE00, s0  }
0x3a: {  	s21 =	sadd.s32 s1, s0  }
0x3b: {  	[tilespmem:s15], [sflag:$0x1] =	stream.linear.gather [hbm4b:s21+s3], $0x1000, $0x38;
	[tilespmem:$0x14010] =	vst v63  }
0x3c: {  	_ =	swait.ge [sflag:s12], $0x1000  }
0x3d: {  	[sflag:s12] =	ssyncset.done $0x0  }
0x3e: {  	s0 =	sadd.s32 s4, s0;
	[sflag:s12] =	ssyncadd.s32 $0xFFFFF000  }
0x3f: {  	[tilespmem:s16], [sflag:$0x1] =	stream.linear.gather [hbm4b:s0+s3], $0x1000, $0x38;
	[tilespmem:$0x14010] =	vst v63  }
0x40: {  	_ =	swait.ge [sflag:s12], $0x1000  }
0x41: {  	s24 =	sadd.s32 $0xFFFFFFD0, s20;
	s22 =	sadd.s32 $0xFFFFFFF0, s20;
	[sflag:s12] =	ssyncset.done $0x0  }
0x42: {  	s23 =	simm.s32 $0x12020;
	v5 =	vor.u32 s24, v0;
	v6 =	vor.u32 s22, v0;
	[sflag:s12] =	ssyncadd.s32 $0xFFFFF000  }
0x43: {  	s25 =	sadd.s32 $0xFFFFFFE0, s20;
	vm2 =	vge.s32 v5, v2;
	vm3 =	vlt.s32 v5, v3;
	vm4 =	vge.s32 v6, v2;
	v4 =	vld [tilespmem:s23+$0x0]  }
0x44: {  	v5 =	vor.u32 s25, v0;
	vm2 =	vmand vm2, vm3;
	vm3 =	vlt.s32 v6, v3;
	v7 =	vld [tilespmem:s23+$0x10]  }
0x45: {  	vm5 =	vlt.s32 v5, v3;
	vm4 =	vmand vm4, vm3;
	vm3 =	vge.s32 v5, v2;
	v5 =	vld [tilespmem:s23+$0xFFFFFFF0];
	_ =	sdelay $0x2  }
0x46: {  	vm2 =	vmmov vm2;
	vm3 =	vmand vm3, vm5;
	vm4 =	vmmov vm4  }
0x47: {  	v6 =	vand.u32 $0xFFF, v4;
	v8 =	vand.u32 $0xFFF, v7;
	v4 =	vshra.s32 v4, $0xC  }
0x48: {  	v7 =	vshra.s32 v7, $0xC;
	v9 =	vshra.s32 v5, $0xC;
	v6 =	vshll.u32 v6, $0x4  }
0x49: {  	v4 =	vsub.s32 v4, v1;
	v7 =	vsub.s32 v7, v1;
	v9 =	vsub.s32 v9, v1  }
0x4a: {  	v11 =	vadd.s32 $0x2000, v6;
	v6 =	vor.u32 s20, v0;
	v4 =	vnsel vm4, $0x0, v4  }
0x4b: {  	v13 =	vld [tilespmem:s23+$0xFFFFFFE0];
	vm5 =	vlt.s32 v6, v3;
	vm6 =	vge.s32 v6, v2;
	v4 =	vshll.u32 v4, $0x6  }
0x4c: {  	v6 =	vnsel vm3, $0x0, v9;
	vm5 =	vmand vm6, vm5;
	v18 =	vshra.s32 v4, $0x2  }
0x4d: {  	v4 =	vshll.u32 v6, $0x6;
	v6 =	vnsel vm5, $0x0, v7;
	(v2sf) =	vpush v18, $0x0  }
0x4e: {  	v7 =	vshll.u32 v8, $0x4;
	v17 =	vshra.s32 v4, $0x2;
	v4 =	vshll.u32 v6, $0x6  }
0x4f: {  	v10 =	vadd.s32 $0x2000, v7;
	(v2sf) =	vpush v17, $0x0;
	v12 =	vshra.s32 v4, $0x2  }
0x50: {  	v6 =	vshra.s32 v13, $0xC;
	v4 =	vand.u32 $0xFFF, v13;
	(v2sf) =	vpush v12, $0x0  }
0x51: {  	v6 =	vsub.s32 v6, v1;
	v4 =	vshll.u32 v4, $0x4;
	(v2sf) =	vpush v11, $0x0  }
0x52: {  	v13 =	vadd.s32 $0x2000, v4;
	v4 =	vnsel vm2, $0x0, v6;
	(v2sf) =	vpush v10, $0x0  }
0x53: {  	v4 =	vshll.u32 v4, $0x6;
	(v2sf) =	vpush v13, $0x0  }
0x54: {  	v16 =	vshra.s32 v4, $0x2;
	(v2sf) =	vpush v18, $0x1  }
0x55: {  	v4 =	vand.u32 $0xFFF, v5;
	(v2sf) =	vpush v16, $0x0  }
0x56: {  	v4 =	vshll.u32 v4, $0x4  }
0x57: {  	v14 =	vadd.s32 $0x2000, v4;
	(v2sf) =	vpush v17, $0x1  }
0x58: {  	s22 =	simm.s32 $0x12060;
	(v2sf) =	vpush v14, $0x0  }
0x59: {  	s26 =	simm.s32 $0x13020;
	v19 =	vld [tilespmem:s22+$0xFFFFFFF0]  }
0x5a: {  	v5 =	vld [tilespmem:s26+$0x0];
	(v2sf) =	vpush v12, $0x1  }
0x5b: {  	v20 =	vld [tilespmem:s22+$0x0];
	(v2sf) =	vpush v13, $0x1  }
0x5c: {  	v6 =	vld [tilespmem:s26+$0x10];
	s2 =	spop (v2sf);
	(v2sf) =	vpush v14, $0x1  }
0x5d: {  	v15 =	vld [tilespmem:s2+$0x0];
	(v2sf) =	vpush v16, $0x1  }
0x5e: {  	v4 =	vld [tilespmem:s26+$0xFFFFFFF0];
	s10 =	spop (v2sf);
	(v2sf) =	vpush v11, $0x1  }
0x5f: {  	v9 =	vld [tilespmem:s26+$0xFFFFFFE0];
	v5 =	vnsel vm4, $0x0, v5;
	s23 =	spop (v2sf);
	(v2sf) =	vpush v18, $0x2  }
0x60: {  	v21 =	vbroadcast v5, $0x0;
	v22 =	vld [tilespmem:s23+$0x0];
	s14 =	spop (v2sf);
	(v2sf) =	vpush v10, $0x1  }
0x61: {  	s21 =	simm.s32 $0x13060;
	v23 =	vld [tilespmem:s10+$0x0];
	s26 =	spop (v2sf);
	(v2sf) =	vpush v17, $0x2  }
0x62: {  	v8 =	vld [tilespmem:s21+$0xFFFFFFF0];
	v7 =	vnsel vm5, $0x0, v6;
	v6 =	vmul.f32 v21, v15;
	s24 =	spop (v2sf);
	(v2sf) =	vpush v12, $0x2  }
0x63: {  	v4 =	vnsel vm3, $0x0, v4;
	v21 =	vld [tilespmem:s22+$0x10];
	v15 =	vbroadcast v7, $0x0;
	s25 =	spop (v2sf);
	(v2sf) =	vpush v11, $0x2  }
0x64: {  	v24 =	vbroadcast v4, $0x0;
	[tilespmem:s14+$0x0] =	vst.add.f32.msk $0xffff, v6;
	s2 =	spop (v2sf);
	(v2sf) =	vpush v14, $0x2  }
0x65: {  	v25 =	vld [tilespmem:s2+$0x0];
	v15 =	vmul.f32 v15, v22;
	(v2sf) =	vpush v16, $0x2  }
0x66: {  	v22 =	vmul.f32 v24, v23;
	s10 =	spop (v2sf);
	v23 =	vld [tilespmem:s25+$0x0];
	(v2sf) =	vpush v17, $0x3  }
0x67: {  	v6 =	vnsel vm2, $0x0, v9;
	s14 =	spop (v2sf);
	[tilespmem:s26+$0x0] =	vst.add.f32.msk $0xffff, v15;
	(v2sf) =	vpush v18, $0x3  }
0x68: {  	v9 =	vbroadcast v6, $0x0;
	[tilespmem:s14+$0x0] =	vst.add.f32.msk $0xffff, v22;
	(v2sf) =	vpush v11, $0x3  }
0x69: {  	s23 =	spop (v2sf);
	v15 =	vld [tilespmem:s10+$0x0];
	(v2sf) =	vpush v10, $0x2  }
0x6a: {  	v38 =	vbroadcast v5, $0x1;
	v22 =	vld [tilespmem:s22+$0xFFFFFFE0];
	s0 =	spop (v2sf);
	v9 =	vmul.f32 v9, v25;
	(v2sf) =	vpush v12, $0x3  }
0x6b: {  	v39 =	vld [tilespmem:s23+$0x0];
	(v2sf) =	vpush v13, $0x2;
	s25 =	spop (v2sf)  }
0x6c: {  	v26 =	vbroadcast v4, $0x1;
	[tilespmem:s24+$0x0] =	vst.add.f32.msk $0xffff, v9;
	v9 =	vmul.f32 v23, v38;
	s26 =	spop (v2sf);
	(v2sf) =	vpush v14, $0x3  }
0x6d: {  	v23 =	vld [tilespmem:s26+$0x0];
	(v2sf) =	vpush v16, $0x3;
	s2 =	spop (v2sf)  }
0x6e: {  	v40 =	vbroadcast v7, $0x1;
	v15 =	vmul.f32 v15, v26;
	[tilespmem:s2+$0x0] =	vst.add.f32.msk $0xffff, v9;
	(v2sf) =	vpush v17, $0x4;
	s10 =	spop (v2sf)  }
0x6f: {  	v9 =	vld [tilespmem:s10+$0x0];
	(v2sf) =	vpush v18, $0x4;
	s14 =	spop (v2sf)  }
0x70: {  	v41 =	vbroadcast v6, $0x1;
	v24 =	vmul.f32 v39, v40;
	[tilespmem:s25+$0x0] =	vst.add.f32.msk $0xffff, v15;
	s25 =	spop (v2sf);
	(v2sf) =	vpush v11, $0x4  }
0x71: {  	v15 =	vld [tilespmem:s25+$0x0];
	s26 =	spop (v2sf);
	(v2sf) =	vpush v10, $0x3  }
0x72: {  	v42 =	vbroadcast v5, $0x2;
	[tilespmem:s14+$0x0] =	vst.add.f32.msk $0xffff, v24;
	v23 =	vmul.f32 v23, v41;
	s2 =	spop (v2sf);
	(v2sf) =	vpush v12, $0x4  }
0x73: {  	v24 =	vld [tilespmem:s26+$0x0];
	(v2sf) =	vpush v13, $0x3;
	s10 =	spop (v2sf)  }
0x74: {  	v43 =	vbroadcast v4, $0x2;
	[tilespmem:s0+$0x0] =	vst.add.f32.msk $0xffff, v23;
	v9 =	vmul.f32 v9, v42;
	s14 =	spop (v2sf);
	(v2sf) =	vpush v14, $0x4  }
0x75: {  	v23 =	vld [tilespmem:s14+$0x0];
	(v2sf) =	vpush v16, $0x4;
	s25 =	spop (v2sf)  }
0x76: {  	v44 =	vbroadcast v7, $0x2;
	v15 =	vmul.f32 v15, v43;
	[tilespmem:s2+$0x0] =	vst.add.f32.msk $0xffff, v9;
	(v2sf) =	vpush v17, $0x5;
	s26 =	spop (v2sf)  }
0x77: {  	v9 =	vld [tilespmem:s26+$0x0];
	s24 =	spop (v2sf);
	(v2sf) =	vpush v18, $0x5  }
0x78: {  	v45 =	vbroadcast v6, $0x2;
	[tilespmem:s10+$0x0] =	vst.add.f32.msk $0xffff, v15;
	v15 =	vmul.f32 v24, v44;
	(v2sf) =	vpush v11, $0x5;
	s2 =	spop (v2sf)  }
0x79: {  	v46 =	vld [tilespmem:s25+$0x0];
	s10 =	spop (v2sf);
	(v2sf) =	vpush v10, $0x4  }
0x7a: {  	v47 =	vbroadcast v5, $0x3;
	v23 =	vmul.f32 v23, v45;
	[tilespmem:s2+$0x0] =	vst.add.f32.msk $0xffff, v15;
	s14 =	spop (v2sf);
	(v2sf) =	vpush v12, $0x5  }
0x7b: {  	v15 =	vld [tilespmem:s10+$0x0];
	(v2sf) =	vpush v13, $0x4;
	s25 =	spop (v2sf)  }
0x7c: {  	v48 =	vbroadcast v4, $0x3;
	[tilespmem:s14+$0x0] =	vst.add.f32.msk $0xffff, v23;
	v9 =	vmul.f32 v9, v47;
	s26 =	spop (v2sf);
	(v2sf) =	vpush v16, $0x5  }
0x7d: {  	v23 =	vld [tilespmem:s26+$0x0];
	s2 =	spop (v2sf);
	(v2sf) =	vpush v14, $0x5  }
0x7e: {  	v49 =	vbroadcast v7, $0x3;
	v24 =	vmul.f32 v46, v48;
	[tilespmem:s24+$0x0] =	vst.add.f32.msk $0xffff, v9;
	(v2sf) =	vpush v17, $0x6;
	s10 =	spop (v2sf)  }
0x7f: {  	v9 =	vld [tilespmem:s10+$0x0];
	s24 =	spop (v2sf);
	(v2sf) =	vpush v18, $0x6  }
0x80: {  	v50 =	vbroadcast v6, $0x3;
	[tilespmem:s25+$0x0] =	vst.add.f32.msk $0xffff, v24;
	v15 =	vmul.f32 v15, v49;
	s14 =	spop (v2sf);
	(v2sf) =	vpush v10, $0x5  }
0x81: {  	v24 =	vld [tilespmem:s2+$0x0];
	(v2sf) =	vpush v13, $0x5;
	s25 =	spop (v2sf)  }
0x82: {  	v51 =	vbroadcast v5, $0x4;
	v23 =	vmul.f32 v23, v50;
	[tilespmem:s14+$0x0] =	vst.add.f32.msk $0xffff, v15;
	s26 =	spop (v2sf);
	(v2sf) =	vpush v12, $0x6  }
0x83: {  	v15 =	vld [tilespmem:s25+$0x0];
	(v2sf) =	vpush v16, $0x6;
	s2 =	spop (v2sf)  }
0x84: {  	v52 =	vbroadcast v4, $0x4;
	[tilespmem:s26+$0x0] =	vst.add.f32.msk $0xffff, v23;
	v9 =	vmul.f32 v9, v51;
	s10 =	spop (v2sf);
	(v2sf) =	vpush v14, $0x6  }
0x85: {  	v23 =	vld [tilespmem:s10+$0x0];
	s14 =	spop (v2sf);
	(v2sf) =	vpush v17, $0x7  }
0x86: {  	v53 =	vbroadcast v7, $0x4;
	v24 =	vmul.f32 v24, v52;
	[tilespmem:s24+$0x0] =	vst.add.f32.msk $0xffff, v9;
	s25 =	spop (v2sf);
	(v2sf) =	vpush v11, $0x6  }
0x87: {  	v9 =	vld [tilespmem:s25+$0x0];
	s24 =	spop (v2sf);
	(v2sf) =	vpush v18, $0x7  }
0x88: {  	v54 =	vbroadcast v6, $0x4;
	[tilespmem:s2+$0x0] =	vst.add.f32.msk $0xffff, v24;
	v15 =	vmul.f32 v15, v53;
	s26 =	spop (v2sf);
	(v2sf) =	vpush v10, $0x6  }
0x89: {  	v24 =	vld [tilespmem:s14+$0x0];
	(v2sf) =	vpush v13, $0x6;
	s2 =	spop (v2sf)  }
0x8a: {  	v55 =	vbroadcast v5, $0x5;
	v23 =	vmul.f32 v23, v54;
	[tilespmem:s26+$0x0] =	vst.add.f32.msk $0xffff, v15;
	s10 =	spop (v2sf);
	(v2sf) =	vpush v12, $0x7  }
0x8b: {  	v15 =	vld [tilespmem:s2+$0x0];
	s14 =	spop (v2sf);
	(v2sf) =	vpush v14, $0x7  }
0x8c: {  	v56 =	vbroadcast v4, $0x5;
	[tilespmem:s10+$0x0] =	vst.add.f32.msk $0xffff, v23;
	v9 =	vmul.f32 v9, v55;
	(v2sf) =	vpush v16, $0x7;
	s25 =	spop (v2sf)  }
0x8d: {  	v23 =	vld [tilespmem:s14+$0x0];
	s26 =	spop (v2sf);
	(v2sf) =	vpush v17, $0x8  }
0x8e: {  	v57 =	vbroadcast v7, $0x5;
	v24 =	vmul.f32 v24, v56;
	[tilespmem:s24+$0x0] =	vst.add.f32.msk $0xffff, v9;
	s2 =	spop (v2sf);
	(v2sf) =	vpush v11, $0x7  }
0x8f: {  	v9 =	vld [tilespmem:s2+$0x0];
	(v2sf) =	vpush v18, $0x8;
	s10 =	spop (v2sf)  }
0x90: {  	v58 =	vbroadcast v6, $0x5;
	[tilespmem:s25+$0x0] =	vst.add.f32.msk $0xffff, v24;
	v15 =	vmul.f32 v15, v57;
	s14 =	spop (v2sf);
	(v2sf) =	vpush v10, $0x7  }
0x91: {  	v24 =	vld [tilespmem:s26+$0x0];
	(v2sf) =	vpush v13, $0x7;
	s25 =	spop (v2sf)  }
0x92: {  	v59 =	vbroadcast v5, $0x6;
	v23 =	vmul.f32 v23, v58;
	[tilespmem:s10+$0x0] =	vst.add.f32.msk $0xffff, v15;
	s26 =	spop (v2sf);
	(v2sf) =	vpush v12, $0x8  }
0x93: {  	v15 =	vld [tilespmem:s25+$0x0];
	(v2sf) =	vpush v16, $0x8;
	s2 =	spop (v2sf)  }
0x94: {  	v60 =	vbroadcast v4, $0x6;
	[tilespmem:s14+$0x0] =	vst.add.f32.msk $0xffff, v23;
	v9 =	vmul.f32 v9, v59;
	s10 =	spop (v2sf);
	(v2sf) =	vpush v14, $0x8  }
0x95: {  	v23 =	vld [tilespmem:s26+$0x0];
	(v2sf) =	vpush v17, $0x9;
	s14 =	spop (v2sf)  }
0x96: {  	v61 =	vbroadcast v7, $0x6;
	v24 =	vmul.f32 v24, v60;
	[tilespmem:s14+$0x0] =	vst.add.f32.msk $0xffff, v9;
	s25 =	spop (v2sf);
	(v2sf) =	vpush v11, $0x8  }
0x97: {  	v9 =	vld [tilespmem:s25+$0x0];
	(v2sf) =	vpush v18, $0x9;
	s26 =	spop (v2sf)  }
0x98: {  	v62 =	vbroadcast v6, $0x6;
	[tilespmem:s2+$0x0] =	vst.add.f32.msk $0xffff, v24;
	v15 =	vmul.f32 v15, v61;
	s2 =	spop (v2sf);
	(v2sf) =	vpush v10, $0x8  }
0x99: {  	v24 =	vld [tilespmem:s10+$0x0];
	(v2sf) =	vpush v13, $0x8;
	s10 =	spop (v2sf)  }
0x9a: {  	v63 =	vbroadcast v5, $0x7;
	v23 =	vmul.f32 v23, v62;
	[tilespmem:s26+$0x0] =	vst.add.f32.msk $0xffff, v15;
	s24 =	spop (v2sf);
	(v2sf) =	vpush v12, $0x9  }
0x9b: {  	v15 =	vld [tilespmem:s10+$0x0];
	s14 =	spop (v2sf);
	(v2sf) =	vpush v16, $0x9  }
0x9c: {  	v28 =	vbroadcast v4, $0x7;
	[tilespmem:s2+$0x0] =	vst.add.f32.msk $0xffff, v23;
	v9 =	vmul.f32 v9, v63;
	s25 =	spop (v2sf);
	(v2sf) =	vpush v14, $0x9  }
0x9d: {  	v23 =	vld [tilespmem:s14+$0x0];
	(v2sf) =	vpush v17, $0xA;
	s26 =	spop (v2sf)  }
0x9e: {  	v29 =	vbroadcast v7, $0x7;
	v24 =	vmul.f32 v24, v28;
	[tilespmem:s26+$0x0] =	vst.add.f32.msk $0xffff, v9;
	s2 =	spop (v2sf);
	(v2sf) =	vpush v11, $0x9  }
0x9f: {  	v9 =	vld [tilespmem:s2+$0x0];
	(v2sf) =	vpush v18, $0xA;
	s10 =	spop (v2sf)  }
0xa0: {  	v30 =	vbroadcast v6, $0x7;
	[tilespmem:s24+$0x0] =	vst.add.f32.msk $0xffff, v24;
	v15 =	vmul.f32 v15, v29;
	s14 =	spop (v2sf);
	(v2sf) =	vpush v10, $0x9  }
0xa1: {  	v24 =	vld [tilespmem:s25+$0x0];
	(v2sf) =	vpush v13, $0x9;
	s25 =	spop (v2sf)  }
0xa2: {  	v31 =	vbroadcast v5, $0x8;
	v23 =	vmul.f32 v23, v30;
	[tilespmem:s10+$0x0] =	vst.add.f32.msk $0xffff, v15;
	s26 =	spop (v2sf);
	(v2sf) =	vpush v12, $0xA  }
0xa3: {  	v15 =	vld [tilespmem:s25+$0x0];
	(v2sf) =	vpush v16, $0xA;
	s2 =	spop (v2sf)  }
0xa4: {  	v32 =	vbroadcast v4, $0x8;
	[tilespmem:s14+$0x0] =	vst.add.f32.msk $0xffff, v23;
	v9 =	vmul.f32 v9, v31;
	s10 =	spop (v2sf);
	(v2sf) =	vpush v14, $0xA  }
0xa5: {  	v23 =	vld [tilespmem:s26+$0x0];
	(v2sf) =	vpush v17, $0xB;
	s14 =	spop (v2sf)  }
0xa6: {  	v33 =	vbroadcast v7, $0x8;
	v24 =	vmul.f32 v24, v32;
	[tilespmem:s14+$0x0] =	vst.add.f32.msk $0xffff, v9;
	s25 =	spop (v2sf);
	(v2sf) =	vpush v11, $0xA  }
0xa7: {  	v9 =	vld [tilespmem:s25+$0x0];
	(v2sf) =	vpush v18, $0xB;
	s26 =	spop (v2sf)  }
0xa8: {  	v34 =	vbroadcast v6, $0x8;
	[tilespmem:s2+$0x0] =	vst.add.f32.msk $0xffff, v24;
	v15 =	vmul.f32 v15, v33;
	s2 =	spop (v2sf);
	(v2sf) =	vpush v10, $0xA  }
0xa9: {  	v24 =	vld [tilespmem:s10+$0x0];
	(v2sf) =	vpush v13, $0xA;
	s10 =	spop (v2sf)  }
0xaa: {  	v35 =	vbroadcast v5, $0x9;
	v23 =	vmul.f32 v23, v34;
	[tilespmem:s26+$0x0] =	vst.add.f32.msk $0xffff, v15;
	s14 =	spop (v2sf);
	(v2sf) =	vpush v12, $0xB  }
0xab: {  	v15 =	vld [tilespmem:s10+$0x0];
	(v2sf) =	vpush v16, $0xB;
	s25 =	spop (v2sf)  }
0xac: {  	v36 =	vbroadcast v4, $0x9;
	[tilespmem:s2+$0x0] =	vst.add.f32.msk $0xffff, v23;
	v9 =	vmul.f32 v9, v35;
	s26 =	spop (v2sf);
	(v2sf) =	vpush v14, $0xB  }
0xad: {  	v23 =	vld [tilespmem:s14+$0x0];
	(v2sf) =	vpush v17, $0xC;
	s2 =	spop (v2sf)  }
0xae: {  	v37 =	vbroadcast v7, $0x9;
	v24 =	vmul.f32 v24, v36;
	[tilespmem:s2+$0x0] =	vst.add.f32.msk $0xffff, v9;
	s10 =	spop (v2sf);
	(v2sf) =	vpush v11, $0xB  }
0xaf: {  	v9 =	vld [tilespmem:s10+$0x0];
	(v2sf) =	vpush v18, $0xC;
	s14 =	spop (v2sf)  }
0xb0: {  	v38 =	vbroadcast v6, $0x9;
	[tilespmem:s25+$0x0] =	vst.add.f32.msk $0xffff, v24;
	v15 =	vmul.f32 v15, v37;
	s2 =	spop (v2sf);
	(v2sf) =	vpush v10, $0xB  }
0xb1: {  	s0 =	sadd.s32 $0x40, s20;
	v24 =	vld [tilespmem:s26+$0x0];
	(v2sf) =	vpush v13, $0xB;
	s10 =	spop (v2sf)  }
0xb2: {  	v39 =	vbroadcast v5, $0xA;
	s28 =	sadd.s32 $0xFFFFFFF0, s0;
	v23 =	vmul.f32 v23, v38;
	[tilespmem:s14+$0x0] =	vst.add.f32.msk $0xffff, v15;
	s14 =	spop (v2sf);
	(v2sf) =	vpush v12, $0xC  }
0xb3: {  	v40 =	vor.u32 s28, v0;
	v28 =	vbroadcast v4, $0xA;
	s26 =	sadd.s32 $0xFFFFFFD0, s0;
	v27 =	vld [tilespmem:s10+$0x0];
	(v2sf) =	vpush v16, $0xC;
	s25 =	spop (v2sf)  }
0xb4: {  	v15 =	vor.u32 s26, v0;
	[tilespmem:s2+$0x0] =	vst.add.f32.msk $0xffff, v23;
	v9 =	vmul.f32 v9, v39;
	s24 =	spop (v2sf);
	(v2sf) =	vpush v14, $0xC  }
0xb5: {  	vm2 =	vge.s32 v15, v2;
	vm3 =	vlt.s32 v15, v3;
	v15 =	vld [tilespmem:s14+$0x0];
	(v2sf) =	vpush v17, $0xD;
	s26 =	spop (v2sf)  }
0xb6: {  	v23 =	vbroadcast v7, $0xA;
	v24 =	vmul.f32 v24, v28;
	[tilespmem:s26+$0x0] =	vst.add.f32.msk $0xffff, v9;
	s2 =	spop (v2sf);
	(v2sf) =	vpush v11, $0xC  }
0xb7: {  	v41 =	vbroadcast v6, $0xA;
	vm4 =	vge.s32 v40, v2;
	v9 =	vld [tilespmem:s2+$0x0];
	(v2sf) =	vpush v18, $0xD;
	s10 =	spop (v2sf)  }
0xb8: {  	v44 =	vbroadcast v5, $0xB;
	[tilespmem:s25+$0x0] =	vst.add.f32.msk $0xffff, v24;
	v23 =	vmul.f32 v27, v23;
	s25 =	spop (v2sf);
	(v2sf) =	vpush v10, $0xC  }
0xb9: {  	v45 =	vbroadcast v4, $0xB;
	v47 =	vbroadcast v6, $0xB;
	v43 =	vld [tilespmem:s24+$0x0];
	(v2sf) =	vpush v13, $0xC;
	s2 =	spop (v2sf)  }
0xba: {  	v46 =	vbroadcast v7, $0xB;
	s14 =	sadd.s32 $0xFFFFFFE0, s0;
	v15 =	vmul.f32 v15, v41;
	[tilespmem:s10+$0x0] =	vst.add.f32.msk $0xffff, v23;
	s10 =	spop (v2sf);
	(v2sf) =	vpush v12, $0xD  }
0xbb: {  	v48 =	vand.u32 $0xFFF, v19;
	v42 =	vor.u32 s14, v0;
	v23 =	vld [tilespmem:s2+$0x0];
	(v2sf) =	vpush v16, $0xD;
	s14 =	spop (v2sf)  }
0xbc: {  	v19 =	vshra.s32 v19, $0xC;
	[tilespmem:s25+$0x0] =	vst.add.f32.msk $0xffff, v15;
	v9 =	vmul.f32 v9, v44;
	s25 =	spop (v2sf);
	(v2sf) =	vpush v14, $0xD  }
0xbd: {  	v50 =	vbroadcast v5, $0xC;
	v52 =	vbroadcast v4, $0xC;
	v15 =	vld [tilespmem:s10+$0x0];
	(v2sf) =	vpush v17, $0xE;
	s26 =	spop (v2sf)  }
0xbe: {  	v53 =	vand.u32 $0xFFF, v21;
	v24 =	vmul.f32 v43, v45;
	[tilespmem:s26+$0x0] =	vst.add.f32.msk $0xffff, v9;
	s2 =	spop (v2sf);
	(v2sf) =	vpush v11, $0xD  }
0xbf: {  	v56 =	vbroadcast v6, $0xC;
	v57 =	vbroadcast v5, $0xD;
	v9 =	vld [tilespmem:s2+$0x0];
	(v2sf) =	vpush v18, $0xE;
	s10 =	spop (v2sf)  }
0xc0: {  	v58 =	vbroadcast v4, $0xE;
	[tilespmem:s14+$0x0] =	vst.add.f32.msk $0xffff, v24;
	v23 =	vmul.f32 v23, v46;
	s14 =	spop (v2sf);
	(v2sf) =	vpush v11, $0xF  }
0xc1: {  	v60 =	vbroadcast v6, $0xE;
	v61 =	vbroadcast v5, $0xE;
	v49 =	vld [tilespmem:s25+$0x0];
	s26 =	spop (v2sf);
	(v2sf) =	vpush v10, $0xF  }
0xc2: {  	v62 =	vbroadcast v7, $0xD;
	v26 =	vmul.f32 v15, v47;
	[tilespmem:s10+$0x0] =	vst.add.f32.msk $0xffff, v23;
	s2 =	spop (v2sf);
	(v2sf) =	vpush v12, $0xE  }
0xc3: {  	v29 =	vbroadcast v7, $0xC;
	vm2 =	vmand vm2, vm3;
	v51 =	vld [tilespmem:s26+$0x0];
	s10 =	spop (v2sf);
	(v2sf) =	vpush v10, $0xD  }
0xc4: {  	vm3 =	vlt.s32 v40, v3;
	[tilespmem:s14+$0x0] =	vst.add.f32.msk $0xffff, v26;
	v9 =	vmul.f32 v9, v50;
	(v2sf) =	vpush v13, $0xD;
	s24 =	spop (v2sf)  }
0xc5: {  	vm3 =	vmand vm4, vm3;
	vm5 =	vge.s32 v42, v2;
	v54 =	vld [tilespmem:s2+$0x0];
	(v2sf) =	vpush v16, $0xE;
	s14 =	spop (v2sf)  }
0xc6: {  	vm14 =	vlt.s32 v42, v3;
	v25 =	vmul.f32 v49, v52;
	[tilespmem:s14+$0x0] =	vst.add.f32.msk $0xffff, v9;
	(v2sf) =	vpush v13, $0xF;
	s26 =	spop (v2sf)  }
0xc7: {  	vm2 =	vmmov vm2;
	vm4 =	vmand vm5, vm14;
	v55 =	vld [tilespmem:s26+$0x0];
	s2 =	spop (v2sf);
	(v2sf) =	vpush v10, $0xE  }
0xc8: {  	vm3 =	vmmov vm3;
	v8 =	vnsel vm4, $0x0, v8;
	[tilespmem:s10+$0x0] =	vst.add.f32.msk $0xffff, v25;
	s10 =	spop (v2sf);
	(v2sf) =	vpush v14, $0xE  }
0xc9: {  	v63 =	vld [tilespmem:s21+$0x10];
	v15 =	vshll.u32 v48, $0x4;
	v24 =	vmul.f32 v51, v29;
	(v2sf) =	vpush v18, $0xF;
	s14 =	spop (v2sf)  }
0xca: {  	v23 =	vand.u32 $0xFFF, v20;
	v20 =	vshra.s32 v20, $0xC;
	v25 =	vld [tilespmem:s24+$0x0];
	s26 =	spop (v2sf);
	(v2sf) =	vpush v11, $0xE  }
0xcb: {  	v23 =	vshll.u32 v23, $0x4;
	v18 =	vmul.f32 v54, v56;
	[tilespmem:s2+$0x0] =	vst.add.f32.msk $0xffff, v24;
	s24 =	spop (v2sf);
	(v2sf) =	vpush v17, $0xF  }
0xcc: {  	v9 =	vadd.s32 $0x2000, v23;
	v23 =	vshll.u32 v53, $0x4;
	v59 =	vld [tilespmem:s14+$0x0];
	s2 =	spop (v2sf);
	(v2sf) =	vpush v12, $0xF  }
0xcd: {  	v11 =	vbroadcast v4, $0xD;
	[tilespmem:s10+$0x0] =	vst.add.f32.msk $0xffff, v18;
	v18 =	vmul.f32 v55, v57;
	s10 =	spop (v2sf);
	(v2sf) =	vpush v13, $0xE  }
0xce: {  	v20 =	vsub.s32 v20, v1;
	v10 =	vadd.s32 $0x2000, v23;
	v12 =	vld [tilespmem:s26+$0x0];
	s14 =	spop (v2sf);
	(v2sf) =	vpush v16, $0xF  }
0xcf: {  	v23 =	vand.u32 $0xFFF, v22;
	v11 =	vmul.f32 v25, v11;
	[tilespmem:s10+$0x0] =	vst.add.f32.msk $0xffff, v18;
	s26 =	spop (v2sf);
	(v2sf) =	vpush v14, $0xF  }
0xd0: {  	v23 =	vshll.u32 v23, $0x4;
	v17 =	vbroadcast v7, $0xE;
	v16 =	vshra.s32 v22, $0xC;
	v22 =	vld [tilespmem:s14+$0x0];
	s29 =	spop (v2sf)  }
0xd1: {  	v13 =	vbroadcast v6, $0xD;
	v18 =	vor.u32 s0, v0;
	[tilespmem:s24+$0x0] =	vst.add.f32.msk $0xffff, v11;
	v14 =	vmul.f32 v59, v62;
	s25 =	spop (v2sf)  }
0xd2: {  	v16 =	vsub.s32 v16, v1;
	vm5 =	vlt.s32 v18, v3;
	v11 =	vshra.s32 v21, $0xC;
	v21 =	vld [tilespmem:s2+$0x0];
	s2 =	spop (v2sf)  }
0xd3: {  	vm15 =	vge.s32 v18, v2;
	v12 =	vmul.f32 v12, v13;
	[tilespmem:s2+$0x0] =	vst.add.f32.msk $0xffff, v14;
	s10 =	spop (v2sf);
	v14 =	vnsel vm3, $0x0, v20  }
0xd4: {  	v11 =	vsub.s32 v11, v1;
	v13 =	vsub.s32 v19, v1;
	v19 =	vld [tilespmem:s25+$0x0];
	s14 =	spop (v2sf);
	v14 =	vshll.u32 v14, $0x6  }
0xd5: {  	v13 =	vnsel vm4, $0x0, v13;
	vm4 =	vmand vm15, vm5;
	[tilespmem:s10+$0x0] =	vst.add.f32.msk $0xffff, v12;
	s28 =	spop (v2sf);
	v14 =	vshra.s32 v14, $0x2  }
0xd6: {  	v13 =	vshll.u32 v13, $0x6;
	v11 =	vnsel vm4, $0x0, v11;
	v20 =	vld [tilespmem:s14+$0x0];
	s2 =	spop (v2sf);
	(v2sf) =	vpush v14, $0x0  }
0xd7: {  	v12 =	vshra.s32 v13, $0x2;
	v11 =	vshll.u32 v11, $0x6;
	v21 =	vmul.f32 v21, v58;
	s24 =	spop (v2sf)  }
0xd8: {  	v18 =	vld [tilespmem:s21+$0xFFFFFFE0];
	v22 =	vmul.f32 v22, v61;
	v13 =	vshra.s32 v11, $0x2;
	(v2sf) =	vpush v12, $0x0;
	s30 =	spop (v2sf)  }
0xd9: {  	v16 =	vnsel vm2, $0x0, v16;
	(v2sf) =	vpush v13, $0x0;
	[tilespmem:s24+$0x0] =	vst.add.f32.msk $0xffff, v21;
	v19 =	vmul.f32 v19, v17;
	s25 =	spop (v2sf)  }
0xda: {  	s23 =	simm.s32 $0x4;
	v11 =	vadd.s32 $0x2000, v23;
	v17 =	vshll.u32 v16, $0x6;
	(v2sf) =	vpush v9, $0x0;
	[tilespmem:s25+$0x0] =	vst.add.f32.msk $0xffff, v22;
	s31 =	spop (v2sf)  }
0xdb: {  	s24 =	sadd.s32 $0x40, s0;
	v16 =	vnsel vm4, $0x0, v63;
	s25 =	simm.s32 $0x130A0;
	(v2sf) =	vpush v10, $0x0;
	v20 =	vmul.f32 v20, v60;
	[tilespmem:s2+$0x0] =	vst.add.f32.msk $0xffff, v19;
	s0 =	spop (v2sf)  }
.LBB2_4:
0xdc: {  	s2 =	sadd.s32 $0xFFFFFFD0, s24;
	s14 =	sadd.s32 $0xFFFFFFF0, s24;
	(v2sf) =	vpush v11, $0x0;
	v19 =	vbroadcast v4, $0xF;
	v21 =	vld [tilespmem:s0+$0x0];
	v22 =	vbroadcast v7, $0xF;
	s0 =	spop (v2sf);
	v4 =	vmovc v8;
	v7 =	vmovc v16  }
0xdd: {  	s23 =	sadd.s32 $0x4, s23;
	v16 =	vadd.s32 $0x2000, v15;
	v8 =	vor.u32 s2, v0;
	v23 =	vld [tilespmem:s25+$0xFFFFFFF0];
	v24 =	vor.u32 s14, v0;
	s2 =	spop (v2sf)  }
0xde: {  	v17 =	vshra.s32 v17, $0x2;
	p0 =	slt.u32 s23, $0xFC;
	vm4 =	vge.s32 v8, v2;
	(v2sf) =	vpush v14, $0x1;
	[tilespmem:s0+$0x0] =	vst.add.f32.msk $0xffff, v20;
	s0 =	spop (v2sf)  }
0xdf: {  	vm5 =	vlt.s32 v8, v3;
	vm6 =	vge.s32 v24, v2;
	(v2sf) =	vpush v17, $0x0;
	v8 =	vld [tilespmem:s31+$0x0]  }
0xe0: {  	vm5 =	vmand vm4, vm5;
	vm4 =	vlt.s32 v24, v3;
	(v2sf) =	vpush v12, $0x1;
	v15 =	vld [tilespmem:s30+$0x0]  }
0xe1: {  	s14 =	sadd.s32 $0xFFFFFFE0, s24;
	vm6 =	vmand vm6, vm4;
	(v2sf) =	vpush v16, $0x0;
	v20 =	vld [tilespmem:s2+$0x0];
	v21 =	vmul.f32 v21, v22  }
0xe2: {  	v25 =	vbroadcast v6, $0xF;
	v6 =	vnsel vm2, $0x0, v18;
	v22 =	vor.u32 s14, v0;
	v24 =	vld [tilespmem:s21+$0x0];
	s21 =	smov.u32 s25  }
0xe3: {  	s22 =	sadd.s32 $0x40, s22;
	v5 =	vbroadcast v5, $0xF;
	vm2 =	vge.s32 v22, v2;
	vm4 =	vlt.s32 v22, v3;
	[tilespmem:s29+$0x0] =	vst.add.f32.msk $0xffff, v21  }
0xe4: {  	vm4 =	vmand vm2, vm4;
	v18 =	vld [tilespmem:s22+$0xFFFFFFF0];
	(v2sf) =	vpush v13, $0x1;
	v21 =	vmul.f32 v8, v19  }
0xe5: {  	v8 =	vnsel vm4, $0x0, v23;
	v19 =	vld [tilespmem:s22+$0x0];
	(v2sf) =	vpush v11, $0x1;
	s2 =	spop (v2sf);
	v15 =	vmul.f32 v15, v5  }
0xe6: {  	vm2 =	vmmov vm5;
	v22 =	vld [tilespmem:s2+$0x0];
	(v2sf) =	vpush v16, $0x1;
	v20 =	vmul.f32 v20, v25  }
0xe7: {  	v5 =	vnsel vm3, $0x0, v24;
	(v2sf) =	vpush v17, $0x1;
	s2 =	spop (v2sf);
	[tilespmem:s26+$0x0] =	vst.add.f32.msk $0xffff, v15;
	vm3 =	vmmov vm6  }
0xe8: {  	v23 =	vld [tilespmem:s2+$0x0];
	(v2sf) =	vpush v9, $0x1;
	s2 =	spop (v2sf)  }
0xe9: {  	v15 =	vbroadcast v5, $0x0;
	v24 =	vld [tilespmem:s2+$0x0];
	s2 =	spop (v2sf);
	(v2sf) =	vpush v14, $0x2  }
0xea: {  	s14 =	spop (v2sf);
	(v2sf) =	vpush v10, $0x1;
	[tilespmem:s28+$0x0] =	vst.add.f32.msk $0xffff, v20  }
0xeb: {  	v15 =	vmul.f32 v15, v22;
	s26 =	spop (v2sf);
	(v2sf) =	vpush v12, $0x2;
	[tilespmem:s0+$0x0] =	vst.add.f32.msk $0xffff, v21  }
0xec: {  	v21 =	vbroadcast v4, $0x0;
	v20 =	vld [tilespmem:s22+$0x10];
	(v2sf) =	vpush v13, $0x2  }
0xed: {  	v25 =	vbroadcast v7, $0x0;
	v22 =	vand.u32 $0xFFF, v18;
	[tilespmem:s2+$0x0] =	vst.add.f32.msk $0xffff, v15;
	s0 =	spop (v2sf);
	(v2sf) =	vpush v9, $0x2  }
0xee: {  	v15 =	vshll.u32 v22, $0x4;
	v21 =	vmul.f32 v21, v23;
	s2 =	spop (v2sf);
	(v2sf) =	vpush v16, $0x2  }
0xef: {  	v22 =	vmul.f32 v25, v24;
	v26 =	vld [tilespmem:s2+$0x0];
	(v2sf) =	vpush v17, $0x2;
	s2 =	spop (v2sf)  }
0xf0: {  	v23 =	vand.u32 $0xFFF, v19;
	v24 =	vbroadcast v6, $0x0;
	v25 =	vld [tilespmem:s0+$0x0];
	s0 =	spop (v2sf);
	(v2sf) =	vpush v12, $0x3  }
0xf1: {  	v23 =	vshll.u32 v23, $0x4;
	v27 =	vand.u32 $0xFFF, v20;
	[tilespmem:s14+$0x0] =	vst.add.f32.msk $0xffff, v22;
	(v2sf) =	vpush v14, $0x3  }
0xf2: {  	v22 =	vadd.s32 $0x2000, v23;
	v23 =	vshll.u32 v27, $0x4;
	[tilespmem:s0+$0x0] =	vst.add.f32.msk $0xffff, v21;
	(v2sf) =	vpush v9, $0x3  }
0xf3: {  	v28 =	vbroadcast v4, $0x1;
	v23 =	vadd.s32 $0x2000, v23;
	v27 =	vld [tilespmem:s2+$0x0];
	s0 =	spop (v2sf);
	(v2sf) =	vpush v10, $0x2  }
0xf4: {  	v24 =	vmul.f32 v24, v26;
	v26 =	vbroadcast v5, $0x1;
	v29 =	vld [tilespmem:s0+$0x0];
	s0 =	spop (v2sf);
	(v2sf) =	vpush v13, $0x3  }
0xf5: {  	v21 =	vld [tilespmem:s22+$0xFFFFFFE0];
	(v2sf) =	vpush v11, $0x2;
	s2 =	spop (v2sf)  }
0xf6: {  	[tilespmem:s26+$0x0] =	vst.add.f32.msk $0xffff, v24;
	v24 =	vmul.f32 v25, v26;
	s14 =	spop (v2sf);
	(v2sf) =	vpush v16, $0x3  }
0xf7: {  	v26 =	vbroadcast v7, $0x1;
	v25 =	vld [tilespmem:s14+$0x0];
	(v2sf) =	vpush v17, $0x3;
	s14 =	spop (v2sf)  }
0xf8: {  	v27 =	vmul.f32 v27, v28;
	[tilespmem:s14+$0x0] =	vst.add.f32.msk $0xffff, v24;
	(v2sf) =	vpush v12, $0x4;
	s14 =	spop (v2sf)  }
0xf9: {  	v28 =	vbroadcast v4, $0x2;
	v30 =	vld [tilespmem:s14+$0x0];
	v26 =	vmul.f32 v29, v26;
	(v2sf) =	vpush v14, $0x4;
	s14 =	spop (v2sf)  }
0xfa: {  	v29 =	vbroadcast v6, $0x1;
	v24 =	vand.u32 $0xFFF, v21;
	[tilespmem:s2+$0x0] =	vst.add.f32.msk $0xffff, v27;
	s2 =	spop (v2sf);
	(v2sf) =	vpush v9, $0x4  }
0xfb: {  	v31 =	vbroadcast v5, $0x2;
	v24 =	vshll.u32 v24, $0x4;
	v27 =	vld [tilespmem:s2+$0x0];
	s2 =	spop (v2sf);
	(v2sf) =	vpush v10, $0x3  }
0xfc: {  	v24 =	vadd.s32 $0x2000, v24;
	v25 =	vmul.f32 v25, v29;
	[tilespmem:s14+$0x0] =	vst.add.f32.msk $0xffff, v26;
	s14 =	spop (v2sf);
	(v2sf) =	vpush v13, $0x4  }
0xfd: {  	v26 =	vld [tilespmem:s2+$0x0];
	(v2sf) =	vpush v11, $0x3;
	s2 =	spop (v2sf)  }
0xfe: {  	[tilespmem:s0+$0x0] =	vst.add.f32.msk $0xffff, v25;
	v25 =	vmul.f32 v30, v31;
	s0 =	spop (v2sf);
	(v2sf) =	vpush v16, $0x4  }
0xff: {  	v30 =	vbroadcast v7, $0x2;
	v29 =	vld [tilespmem:s0+$0x0];
	(v2sf) =	vpush v17, $0x4;
	s0 =	spop (v2sf)  }
0x100: {  	v27 =	vmul.f32 v27, v28;
	[tilespmem:s14+$0x0] =	vst.add.f32.msk $0xffff, v25;
	(v2sf) =	vpush v12, $0x5;
	s14 =	spop (v2sf)  }
0x101: {  	v25 =	vld [tilespmem:s14+$0x0];
	s14 =	spop (v2sf);
	(v2sf) =	vpush v14, $0x5  }
0x102: {  	v28 =	vbroadcast v6, $0x2;
	[tilespmem:s2+$0x0] =	vst.add.f32.msk $0xffff, v27;
	v26 =	vmul.f32 v26, v30;
	(v2sf) =	vpush v9, $0x5;
	s2 =	spop (v2sf)  }
0x103: {  	v30 =	vbroadcast v4, $0x3;
	v27 =	vld [tilespmem:s0+$0x0];
	s0 =	spop (v2sf);
	(v2sf) =	vpush v10, $0x4  }
0x104: {  	v28 =	vmul.f32 v29, v28;
	v29 =	vbroadcast v5, $0x3;
	[tilespmem:s2+$0x0] =	vst.add.f32.msk $0xffff, v26;
	s2 =	spop (v2sf);
	(v2sf) =	vpush v13, $0x5  }
0x105: {  	v26 =	vld [tilespmem:s0+$0x0];
	(v2sf) =	vpush v11, $0x4;
	s0 =	spop (v2sf)  }
0x106: {  	[tilespmem:s2+$0x0] =	vst.add.f32.msk $0xffff, v28;
	v25 =	vmul.f32 v25, v29;
	s2 =	spop (v2sf);
	(v2sf) =	vpush v17, $0x5  }
0x107: {  	v29 =	vbroadcast v7, $0x3;
	v28 =	vld [tilespmem:s2+$0x0];
	s2 =	spop (v2sf);
	(v2sf) =	vpush v16, $0x5  }
0x108: {  	v27 =	vmul.f32 v27, v30;
	[tilespmem:s14+$0x0] =	vst.add.f32.msk $0xffff, v25;
	(v2sf) =	vpush v12, $0x6;
	s14 =	spop (v2sf)  }
0x109: {  	v25 =	vld [tilespmem:s14+$0x0];
	s14 =	spop (v2sf);
	(v2sf) =	vpush v14, $0x6  }
0x10a: {  	v30 =	vbroadcast v6, $0x3;
	[tilespmem:s0+$0x0] =	vst.add.f32.msk $0xffff, v27;
	v26 =	vmul.f32 v26, v29;
	s0 =	spop (v2sf);
	(v2sf) =	vpush v10, $0x5  }
0x10b: {  	v29 =	vbroadcast v4, $0x4;
	v27 =	vld [tilespmem:s2+$0x0];
	(v2sf) =	vpush v11, $0x5;
	s2 =	spop (v2sf)  }
0x10c: {  	v28 =	vmul.f32 v28, v30;
	v30 =	vbroadcast v5, $0x4;
	[tilespmem:s0+$0x0] =	vst.add.f32.msk $0xffff, v26;
	s0 =	spop (v2sf);
	(v2sf) =	vpush v13, $0x6  }
0x10d: {  	v26 =	vld [tilespmem:s2+$0x0];
	(v2sf) =	vpush v17, $0x6;
	s2 =	spop (v2sf)  }
0x10e: {  	[tilespmem:s0+$0x0] =	vst.add.f32.msk $0xffff, v28;
	v25 =	vmul.f32 v25, v30;
	s0 =	spop (v2sf);
	(v2sf) =	vpush v16, $0x6  }
0x10f: {  	v30 =	vbroadcast v7, $0x4;
	v28 =	vld [tilespmem:s0+$0x0];
	s0 =	spop (v2sf);
	(v2sf) =	vpush v12, $0x7  }
0x110: {  	v27 =	vmul.f32 v27, v29;
	[tilespmem:s14+$0x0] =	vst.add.f32.msk $0xffff, v25;
	s14 =	spop (v2sf);
	(v2sf) =	vpush v9, $0x6  }
0x111: {  	v25 =	vld [tilespmem:s14+$0x0];
	s14 =	spop (v2sf);
	(v2sf) =	vpush v14, $0x7  }
0x112: {  	v29 =	vbroadcast v6, $0x4;
	[tilespmem:s2+$0x0] =	vst.add.f32.msk $0xffff, v27;
	v26 =	vmul.f32 v26, v30;
	s2 =	spop (v2sf);
	(v2sf) =	vpush v10, $0x6  }
0x113: {  	v30 =	vbroadcast v4, $0x5;
	v27 =	vld [tilespmem:s0+$0x0];
	(v2sf) =	vpush v11, $0x6;
	s0 =	spop (v2sf)  }
0x114: {  	v28 =	vmul.f32 v28, v29;
	v29 =	vbroadcast v5, $0x5;
	[tilespmem:s2+$0x0] =	vst.add.f32.msk $0xffff, v26;
	s2 =	spop (v2sf);
	(v2sf) =	vpush v13, $0x7  }
0x115: {  	v26 =	vld [tilespmem:s0+$0x0];
	s0 =	spop (v2sf);
	(v2sf) =	vpush v16, $0x7  }
0x116: {  	[tilespmem:s2+$0x0] =	vst.add.f32.msk $0xffff, v28;
	v25 =	vmul.f32 v25, v29;
	(v2sf) =	vpush v17, $0x7;
	s2 =	spop (v2sf)  }
0x117: {  	v29 =	vbroadcast v7, $0x5;
	v28 =	vld [tilespmem:s0+$0x0];
	s0 =	spop (v2sf);
	(v2sf) =	vpush v12, $0x8  }
0x118: {  	v27 =	vmul.f32 v27, v30;
	[tilespmem:s14+$0x0] =	vst.add.f32.msk $0xffff, v25;
	s14 =	spop (v2sf);
	(v2sf) =	vpush v9, $0x7  }
0x119: {  	v25 =	vbroadcast v4, $0x6;
	v30 =	vld [tilespmem:s14+$0x0];
	(v2sf) =	vpush v14, $0x8;
	s14 =	spop (v2sf)  }
0x11a: {  	v31 =	vbroadcast v6, $0x5;
	[tilespmem:s2+$0x0] =	vst.add.f32.msk $0xffff, v27;
	v26 =	vmul.f32 v26, v29;
	s2 =	spop (v2sf);
	(v2sf) =	vpush v10, $0x7  }
0x11b: {  	v27 =	vld [tilespmem:s0+$0x0];
	(v2sf) =	vpush v11, $0x7;
	s0 =	spop (v2sf)  }
0x11c: {  	v29 =	vbroadcast v5, $0x6;
	v28 =	vmul.f32 v28, v31;
	[tilespmem:s14+$0x0] =	vst.add.f32.msk $0xffff, v26;
	s14 =	spop (v2sf);
	(v2sf) =	vpush v13, $0x8  }
0x11d: {  	v26 =	vld [tilespmem:s0+$0x0];
	(v2sf) =	vpush v17, $0x8;
	s0 =	spop (v2sf)  }
0x11e: {  	[tilespmem:s2+$0x0] =	vst.add.f32.msk $0xffff, v28;
	v28 =	vmul.f32 v30, v29;
	s2 =	spop (v2sf);
	(v2sf) =	vpush v16, $0x8  }
0x11f: {  	v30 =	vbroadcast v7, $0x6;
	v29 =	vld [tilespmem:s14+$0x0];
	(v2sf) =	vpush v12, $0x9;
	s14 =	spop (v2sf)  }
0x120: {  	v25 =	vmul.f32 v27, v25;
	[tilespmem:s14+$0x0] =	vst.add.f32.msk $0xffff, v28;
	s14 =	spop (v2sf);
	(v2sf) =	vpush v9, $0x8  }
0x121: {  	v27 =	vbroadcast v4, $0x7;
	v28 =	vld [tilespmem:s14+$0x0];
	(v2sf) =	vpush v14, $0x9;
	s14 =	spop (v2sf)  }
0x122: {  	v31 =	vbroadcast v6, $0x6;
	[tilespmem:s0+$0x0] =	vst.add.f32.msk $0xffff, v25;
	v25 =	vmul.f32 v26, v30;
	s0 =	spop (v2sf);
	(v2sf) =	vpush v10, $0x8  }
0x123: {  	v26 =	vld [tilespmem:s2+$0x0];
	(v2sf) =	vpush v11, $0x8;
	s2 =	spop (v2sf)  }
0x124: {  	v30 =	vbroadcast v5, $0x7;
	v29 =	vmul.f32 v29, v31;
	[tilespmem:s14+$0x0] =	vst.add.f32.msk $0xffff, v25;
	s14 =	spop (v2sf);
	(v2sf) =	vpush v13, $0x9  }
0x125: {  	v25 =	vld [tilespmem:s2+$0x0];
	s2 =	spop (v2sf);
	(v2sf) =	vpush v17, $0x9  }
0x126: {  	[tilespmem:s0+$0x0] =	vst.add.f32.msk $0xffff, v29;
	v28 =	vmul.f32 v28, v30;
	s0 =	spop (v2sf);
	(v2sf) =	vpush v16, $0x9  }
0x127: {  	v30 =	vbroadcast v7, $0x7;
	v29 =	vld [tilespmem:s2+$0x0];
	(v2sf) =	vpush v12, $0xA;
	s2 =	spop (v2sf)  }
0x128: {  	v26 =	vmul.f32 v26, v27;
	[tilespmem:s2+$0x0] =	vst.add.f32.msk $0xffff, v28;
	s2 =	spop (v2sf);
	(v2sf) =	vpush v9, $0x9  }
0x129: {  	v27 =	vbroadcast v4, $0x8;
	v28 =	vld [tilespmem:s2+$0x0];
	(v2sf) =	vpush v14, $0xA;
	s2 =	spop (v2sf)  }
0x12a: {  	v31 =	vbroadcast v6, $0x7;
	[tilespmem:s14+$0x0] =	vst.add.f32.msk $0xffff, v26;
	v25 =	vmul.f32 v25, v30;
	s14 =	spop (v2sf);
	(v2sf) =	vpush v10, $0x9  }
0x12b: {  	v26 =	vld [tilespmem:s0+$0x0];
	(v2sf) =	vpush v11, $0x9;
	s0 =	spop (v2sf)  }
0x12c: {  	v30 =	vbroadcast v5, $0x8;
	v29 =	vmul.f32 v29, v31;
	[tilespmem:s2+$0x0] =	vst.add.f32.msk $0xffff, v25;
	s2 =	spop (v2sf);
	(v2sf) =	vpush v13, $0xA  }
0x12d: {  	v25 =	vld [tilespmem:s0+$0x0];
	(v2sf) =	vpush v17, $0xA;
	s0 =	spop (v2sf)  }
0x12e: {  	[tilespmem:s14+$0x0] =	vst.add.f32.msk $0xffff, v29;
	v28 =	vmul.f32 v28, v30;
	s14 =	spop (v2sf);
	(v2sf) =	vpush v16, $0xA  }
0x12f: {  	v30 =	vbroadcast v7, $0x8;
	v29 =	vld [tilespmem:s2+$0x0];
	(v2sf) =	vpush v12, $0xB;
	s2 =	spop (v2sf)  }
0x130: {  	v26 =	vmul.f32 v26, v27;
	[tilespmem:s2+$0x0] =	vst.add.f32.msk $0xffff, v28;
	s2 =	spop (v2sf);
	(v2sf) =	vpush v9, $0xA  }
0x131: {  	v27 =	vbroadcast v4, $0x9;
	v28 =	vld [tilespmem:s2+$0x0];
	(v2sf) =	vpush v14, $0xB;
	s2 =	spop (v2sf)  }
0x132: {  	v31 =	vbroadcast v6, $0x8;
	[tilespmem:s0+$0x0] =	vst.add.f32.msk $0xffff, v26;
	v25 =	vmul.f32 v25, v30;
	s0 =	spop (v2sf);
	(v2sf) =	vpush v10, $0xA  }
0x133: {  	v26 =	vld [tilespmem:s14+$0x0];
	(v2sf) =	vpush v11, $0xA;
	s14 =	spop (v2sf)  }
0x134: {  	v30 =	vbroadcast v5, $0x9;
	v29 =	vmul.f32 v29, v31;
	[tilespmem:s2+$0x0] =	vst.add.f32.msk $0xffff, v25;
	s2 =	spop (v2sf);
	(v2sf) =	vpush v13, $0xB  }
0x135: {  	v25 =	vld [tilespmem:s14+$0x0];
	(v2sf) =	vpush v17, $0xB;
	s14 =	spop (v2sf)  }
0x136: {  	[tilespmem:s0+$0x0] =	vst.add.f32.msk $0xffff, v29;
	v28 =	vmul.f32 v28, v30;
	s0 =	spop (v2sf);
	(v2sf) =	vpush v16, $0xB  }
0x137: {  	v30 =	vbroadcast v7, $0x9;
	v29 =	vld [tilespmem:s2+$0x0];
	(v2sf) =	vpush v12, $0xC;
	s2 =	spop (v2sf)  }
0x138: {  	v26 =	vmul.f32 v26, v27;
	[tilespmem:s2+$0x0] =	vst.add.f32.msk $0xffff, v28;
	s2 =	spop (v2sf);
	(v2sf) =	vpush v9, $0xB  }
0x139: {  	v27 =	vbroadcast v4, $0xA;
	v28 =	vld [tilespmem:s2+$0x0];
	(v2sf) =	vpush v14, $0xC;
	s2 =	spop (v2sf)  }
0x13a: {  	v31 =	vbroadcast v6, $0x9;
	[tilespmem:s14+$0x0] =	vst.add.f32.msk $0xffff, v26;
	v25 =	vmul.f32 v25, v30;
	s14 =	spop (v2sf);
	(v2sf) =	vpush v10, $0xB  }
0x13b: {  	v26 =	vld [tilespmem:s0+$0x0];
	(v2sf) =	vpush v11, $0xB;
	s0 =	spop (v2sf)  }
0x13c: {  	v30 =	vbroadcast v5, $0xA;
	v29 =	vmul.f32 v29, v31;
	[tilespmem:s2+$0x0] =	vst.add.f32.msk $0xffff, v25;
	s2 =	spop (v2sf);
	(v2sf) =	vpush v13, $0xC  }
0x13d: {  	v25 =	vld [tilespmem:s0+$0x0];
	(v2sf) =	vpush v17, $0xC;
	s0 =	spop (v2sf)  }
0x13e: {  	[tilespmem:s14+$0x0] =	vst.add.f32.msk $0xffff, v29;
	v28 =	vmul.f32 v28, v30;
	s14 =	spop (v2sf);
	(v2sf) =	vpush v16, $0xC  }
0x13f: {  	v30 =	vbroadcast v7, $0xA;
	v29 =	vld [tilespmem:s2+$0x0];
	(v2sf) =	vpush v12, $0xD;
	s2 =	spop (v2sf)  }
0x140: {  	v26 =	vmul.f32 v26, v27;
	[tilespmem:s2+$0x0] =	vst.add.f32.msk $0xffff, v28;
	s2 =	spop (v2sf);
	(v2sf) =	vpush v9, $0xC  }
0x141: {  	v27 =	vbroadcast v4, $0xB;
	v28 =	vld [tilespmem:s2+$0x0];
	(v2sf) =	vpush v14, $0xD;
	s2 =	spop (v2sf)  }
0x142: {  	v31 =	vbroadcast v6, $0xA;
	[tilespmem:s0+$0x0] =	vst.add.f32.msk $0xffff, v26;
	v25 =	vmul.f32 v25, v30;
	s0 =	spop (v2sf);
	(v2sf) =	vpush v10, $0xC  }
0x143: {  	v26 =	vld [tilespmem:s14+$0x0];
	(v2sf) =	vpush v11, $0xC;
	s14 =	spop (v2sf)  }
0x144: {  	v30 =	vbroadcast v5, $0xB;
	v29 =	vmul.f32 v29, v31;
	[tilespmem:s2+$0x0] =	vst.add.f32.msk $0xffff, v25;
	s2 =	spop (v2sf);
	(v2sf) =	vpush v13, $0xD  }
0x145: {  	v25 =	vld [tilespmem:s14+$0x0];
	(v2sf) =	vpush v17, $0xD;
	s14 =	spop (v2sf)  }
0x146: {  	[tilespmem:s0+$0x0] =	vst.add.f32.msk $0xffff, v29;
	v28 =	vmul.f32 v28, v30;
	s0 =	spop (v2sf);
	(v2sf) =	vpush v16, $0xD  }
0x147: {  	v30 =	vbroadcast v7, $0xB;
	v29 =	vld [tilespmem:s2+$0x0];
	(v2sf) =	vpush v12, $0xE;
	s2 =	spop (v2sf)  }
0x148: {  	v26 =	vmul.f32 v26, v27;
	[tilespmem:s2+$0x0] =	vst.add.f32.msk $0xffff, v28;
	s2 =	spop (v2sf);
	(v2sf) =	vpush v9, $0xD  }
0x149: {  	v27 =	vbroadcast v4, $0xC;
	v28 =	vld [tilespmem:s2+$0x0];
	(v2sf) =	vpush v14, $0xE;
	s2 =	spop (v2sf)  }
0x14a: {  	v31 =	vbroadcast v6, $0xB;
	[tilespmem:s14+$0x0] =	vst.add.f32.msk $0xffff, v26;
	v25 =	vmul.f32 v25, v30;
	s14 =	spop (v2sf);
	(v2sf) =	vpush v9, $0xF  }
0x14b: {  	v26 =	vld [tilespmem:s0+$0x0];
	s0 =	spop (v2sf);
	(v2sf) =	vpush v10, $0xF  }
0x14c: {  	v30 =	vbroadcast v5, $0xC;
	v29 =	vmul.f32 v29, v31;
	[tilespmem:s2+$0x0] =	vst.add.f32.msk $0xffff, v25;
	s2 =	spop (v2sf);
	(v2sf) =	vpush v13, $0xE  }
0x14d: {  	v25 =	vld [tilespmem:s0+$0x0];
	s0 =	spop (v2sf);
	(v2sf) =	vpush v10, $0xD  }
0x14e: {  	[tilespmem:s14+$0x0] =	vst.add.f32.msk $0xffff, v29;
	v28 =	vmul.f32 v28, v30;
	(v2sf) =	vpush v11, $0xD;
	s14 =	spop (v2sf)  }
0x14f: {  	v30 =	vbroadcast v7, $0xC;
	v29 =	vld [tilespmem:s2+$0x0];
	(v2sf) =	vpush v17, $0xE;
	s2 =	spop (v2sf)  }
0x150: {  	v26 =	vmul.f32 v26, v27;
	[tilespmem:s2+$0x0] =	vst.add.f32.msk $0xffff, v28;
	(v2sf) =	vpush v11, $0xF;
	s2 =	spop (v2sf)  }
0x151: {  	v27 =	vbroadcast v4, $0xD;
	v28 =	vld [tilespmem:s2+$0x0];
	s2 =	spop (v2sf);
	(v2sf) =	vpush v10, $0xE;
	v10 =	vmov v23  }
0x152: {  	v23 =	vbroadcast v6, $0xC;
	[tilespmem:s0+$0x0] =	vst.add.f32.msk $0xffff, v26;
	v25 =	vmul.f32 v25, v30;
	s0 =	spop (v2sf);
	(v2sf) =	vpush v16, $0xE  }
0x153: {  	v26 =	vld [tilespmem:s14+$0x0];
	(v2sf) =	vpush v14, $0xF;
	s14 =	spop (v2sf)  }
0x154: {  	v14 =	vmul.f32 v29, v23;
	v23 =	vbroadcast v5, $0xD;
	[tilespmem:s2+$0x0] =	vst.add.f32.msk $0xffff, v25;
	s2 =	spop (v2sf);
	(v2sf) =	vpush v9, $0xE;
	v9 =	vmovc v22  }
0x155: {  	v22 =	vbroadcast v4, $0xE;
	v29 =	vbroadcast v7, $0xE;
	v25 =	vld [tilespmem:s14+$0x0];
	s14 =	spop (v2sf);
	(v2sf) =	vpush v12, $0xF  }
0x156: {  	v30 =	vbroadcast v6, $0xE;
	[tilespmem:s0+$0x0] =	vst.add.f32.msk $0xffff, v14;
	v12 =	vmul.f32 v28, v23;
	s0 =	spop (v2sf);
	(v2sf) =	vpush v13, $0xF  }
0x157: {  	v23 =	vbroadcast v5, $0xE;
	v14 =	vbroadcast v7, $0xD;
	v13 =	vld [tilespmem:s2+$0x0];
	(v2sf) =	vpush v11, $0xE;
	s2 =	spop (v2sf);
	v11 =	vmovc v24  }
0x158: {  	v24 =	vbroadcast v6, $0xD;
	v26 =	vmul.f32 v26, v27;
	[tilespmem:s2+$0x0] =	vst.add.f32.msk $0xffff, v12;
	(v2sf) =	vpush v17, $0xF;
	s2 =	spop (v2sf)  }
0x159: {  	v12 =	vshra.s32 v21, $0xC;
	v17 =	vor.u32 s24, v0;
	v21 =	vld [tilespmem:s2+$0x0];
	(v2sf) =	vpush v16, $0xF;
	s26 =	spop (v2sf)  }
0x15a: {  	v12 =	vsub.s32 v12, v1;
	v16 =	vshra.s32 v20, $0xC;
	vm5 =	vlt.s32 v17, v3;
	[tilespmem:s14+$0x0] =	vst.add.f32.msk $0xffff, v26;
	s29 =	spop (v2sf)  }
0x15b: {  	v19 =	vshra.s32 v19, $0xC;
	v16 =	vsub.s32 v16, v1;
	v14 =	vmul.f32 v25, v14;
	v20 =	vld [tilespmem:s0+$0x0];
	s0 =	spop (v2sf)  }
0x15c: {  	v18 =	vshra.s32 v18, $0xC;
	v19 =	vsub.s32 v19, v1;
	v25 =	vld [tilespmem:s25+$0x10];
	v13 =	vmul.f32 v13, v24;
	s2 =	spop (v2sf)  }
0x15d: {  	v18 =	vsub.s32 v18, v1;
	v19 =	vnsel vm3, $0x0, v19;
	vm6 =	vge.s32 v17, v2;
	[tilespmem:s2+$0x0] =	vst.add.f32.msk $0xffff, v14;
	s2 =	spop (v2sf)  }
0x15e: {  	v17 =	vshll.u32 v19, $0x6;
	v14 =	vnsel vm4, $0x0, v18;
	vm4 =	vmand vm6, vm5;
	v19 =	vld [tilespmem:s0+$0x0];
	s0 =	spop (v2sf)  }
0x15f: {  	v18 =	vnsel vm2, $0x0, v12;
	v12 =	vshll.u32 v14, $0x6;
	v14 =	vshra.s32 v17, $0x2;
	[tilespmem:s2+$0x0] =	vst.add.f32.msk $0xffff, v13;
	s28 =	spop (v2sf)  }
0x160: {  	v12 =	vshra.s32 v12, $0x2;
	v13 =	vnsel vm4, $0x0, v16;
	(v2sf) =	vpush v14, $0x0;
	v24 =	vld [tilespmem:s0+$0x0];
	s0 =	spop (v2sf)  }
.Ltmp3:
0x161: {  	v17 =	vshll.u32 v18, $0x6;
	v13 =	vshll.u32 v13, $0x6;
	v20 =	vmul.f32 v20, v22;
	s2 =	spop (v2sf);
	(pc) =	sbr.rel @p0 .LBB2_4-.Ltmp3, $4  }
0x162: {  	v21 =	vmul.f32 v21, v23;
	v13 =	vshra.s32 v13, $0x2;
	v18 =	vld [tilespmem:s25+$0xFFFFFFE0];
	(v2sf) =	vpush v12, $0x0;
	s30 =	spop (v2sf)  }
0x163: {  	v16 =	vnsel vm4, $0x0, v25;
	(v2sf) =	vpush v13, $0x0;
	[tilespmem:s2+$0x0] =	vst.add.f32.msk $0xffff, v20;
	v19 =	vmul.f32 v19, v29;
	s2 =	spop (v2sf)  }
0x164: {  	(v2sf) =	vpush v9, $0x0;
	[tilespmem:s2+$0x0] =	vst.add.f32.msk $0xffff, v21;
	s31 =	spop (v2sf)  }
0x165: {  	s24 =	sadd.s32 $0x40, s24;
	s25 =	sadd.s32 $0x40, s25;
	(v2sf) =	vpush v10, $0x0;
	v20 =	vmul.f32 v24, v30;
	[tilespmem:s0+$0x0] =	vst.add.f32.msk $0xffff, v19;
	s0 =	spop (v2sf)  }
0x166: {  	(v2sf) =	vpush v11, $0x0  }
0x167: {  	v19 =	vshra.s32 v17, $0x2;
	(v2sf) =	vpush v14, $0x1  }
0x168: {  	(v2sf) =	vpush v19, $0x0;
	_ =	sdelay $0x1  }
0x169: {  	v17 =	vadd.s32 $0x2000, v15;
	(v2sf) =	vpush v12, $0x1  }
0x16a: {  	(v2sf) =	vpush v17, $0x0;
	_ =	sdelay $0x1  }
0x16b: {  	s24 =	spop (v2sf);
	(v2sf) =	vpush v13, $0x1  }
0x16c: {  	s23 =	spop (v2sf);
	(v2sf) =	vpush v11, $0x1  }
0x16d: {  	v42 =	vld [tilespmem:s21+$0x0];
	s22 =	spop (v2sf);
	(v2sf) =	vpush v17, $0x1  }
0x16e: {  	s2 =	spop (v2sf);
	(v2sf) =	vpush v19, $0x1  }
0x16f: {  	s14 =	spop (v2sf);
	(v2sf) =	vpush v9, $0x1  }
0x170: {  	v21 =	vld [tilespmem:s2+$0x0];
	s10 =	spop (v2sf);
	(v2sf) =	vpush v14, $0x2  }
0x171: {  	s21 =	spop (v2sf);
	(v2sf) =	vpush v10, $0x1  }
0x172: {  	v15 =	vnsel vm3, $0x0, v42;
	v22 =	vld [tilespmem:s14+$0x0];
	s14 =	spop (v2sf);
	(v2sf) =	vpush v12, $0x2  }
0x173: {  	v23 =	vbroadcast v15, $0x0;
	s25 =	spop (v2sf);
	(v2sf) =	vpush v13, $0x2  }
0x174: {  	v24 =	vld [tilespmem:s10+$0x0];
	s2 =	spop (v2sf);
	(v2sf) =	vpush v9, $0x2  }
0x175: {  	v43 =	vbroadcast v8, $0x0;
	[tilespmem:s24+$0x0] =	vst.add.f32.msk $0xffff, v20;
	v21 =	vmul.f32 v23, v21;
	s10 =	spop (v2sf);
	(v2sf) =	vpush v17, $0x2  }
0x176: {  	v25 =	vld [tilespmem:s10+$0x0];
	(v2sf) =	vpush v19, $0x2  }
0x177: {  	v44 =	vbroadcast v16, $0x0;
	[tilespmem:s21+$0x0] =	vst.add.f32.msk $0xffff, v21;
	v22 =	vmul.f32 v43, v22;
	s10 =	spop (v2sf);
	(v2sf) =	vpush v12, $0x3  }
0x178: {  	v18 =	vnsel vm2, $0x0, v18;
	v45 =	vld [tilespmem:s2+$0x0];
	s21 =	spop (v2sf);
	(v2sf) =	vpush v14, $0x3  }
0x179: {  	v46 =	vbroadcast v18, $0x0;
	v21 =	vmul.f32 v44, v24;
	[tilespmem:s21+$0x0] =	vst.add.f32.msk $0xffff, v22;
	(v2sf) =	vpush v9, $0x3  }
0x17a: {  	s21 =	spop (v2sf);
	v47 =	vld [tilespmem:s10+$0x0];
	(v2sf) =	vpush v10, $0x2  }
0x17b: {  	v49 =	vbroadcast v15, $0x1;
	[tilespmem:s14+$0x0] =	vst.add.f32.msk $0xffff, v21;
	s10 =	spop (v2sf);
	v48 =	vmul.f32 v46, v25;
	(v2sf) =	vpush v13, $0x3  }
0x17c: {  	v50 =	vld [tilespmem:s21+$0x0];
	s2 =	spop (v2sf);
	(v2sf) =	vpush v11, $0x2  }
0x17d: {  	v26 =	vbroadcast v8, $0x1;
	v51 =	vmul.f32 v45, v49;
	[tilespmem:s25+$0x0] =	vst.add.f32.msk $0xffff, v48;
	s25 =	spop (v2sf);
	(v2sf) =	vpush v17, $0x3  }
0x17e: {  	v52 =	vld [tilespmem:s25+$0x0];
	(v2sf) =	vpush v19, $0x3;
	s21 =	spop (v2sf)  }
0x17f: {  	v53 =	vbroadcast v16, $0x1;
	v24 =	vmul.f32 v47, v26;
	[tilespmem:s21+$0x0] =	vst.add.f32.msk $0xffff, v51;
	(v2sf) =	vpush v12, $0x4;
	s25 =	spop (v2sf)  }
0x180: {  	v21 =	vld [tilespmem:s25+$0x0];
	(v2sf) =	vpush v14, $0x4;
	s14 =	spop (v2sf)  }
0x181: {  	v54 =	vbroadcast v18, $0x1;
	v23 =	vmul.f32 v50, v53;
	[tilespmem:s2+$0x0] =	vst.add.f32.msk $0xffff, v24;
	s21 =	spop (v2sf);
	(v2sf) =	vpush v9, $0x4  }
0x182: {  	v24 =	vld [tilespmem:s21+$0x0];
	s25 =	spop (v2sf);
	(v2sf) =	vpush v10, $0x3  }
0x183: {  	v55 =	vbroadcast v15, $0x2;
	[tilespmem:s14+$0x0] =	vst.add.f32.msk $0xffff, v23;
	v22 =	vmul.f32 v52, v54;
	s21 =	spop (v2sf);
	(v2sf) =	vpush v13, $0x4  }
0x184: {  	v23 =	vld [tilespmem:s25+$0x0];
	(v2sf) =	vpush v11, $0x3;
	s2 =	spop (v2sf)  }
0x185: {  	v56 =	vbroadcast v8, $0x2;
	[tilespmem:s10+$0x0] =	vst.add.f32.msk $0xffff, v22;
	v21 =	vmul.f32 v21, v55;
	s25 =	spop (v2sf);
	(v2sf) =	vpush v17, $0x4  }
0x186: {  	v22 =	vld [tilespmem:s25+$0x0];
	(v2sf) =	vpush v19, $0x4;
	s10 =	spop (v2sf)  }
0x187: {  	v57 =	vbroadcast v16, $0x2;
	v24 =	vmul.f32 v24, v56;
	[tilespmem:s21+$0x0] =	vst.add.f32.msk $0xffff, v21;
	(v2sf) =	vpush v12, $0x5;
	s21 =	spop (v2sf)  }
0x188: {  	v21 =	vld [tilespmem:s21+$0x0];
	s14 =	spop (v2sf);
	(v2sf) =	vpush v14, $0x5  }
0x189: {  	v58 =	vbroadcast v18, $0x2;
	v23 =	vmul.f32 v23, v57;
	[tilespmem:s2+$0x0] =	vst.add.f32.msk $0xffff, v24;
	(v2sf) =	vpush v9, $0x5;
	s25 =	spop (v2sf)  }
0x18a: {  	v24 =	vld [tilespmem:s10+$0x0];
	s21 =	spop (v2sf);
	(v2sf) =	vpush v10, $0x4  }
0x18b: {  	v59 =	vbroadcast v15, $0x3;
	[tilespmem:s25+$0x0] =	vst.add.f32.msk $0xffff, v23;
	v22 =	vmul.f32 v22, v58;
	s25 =	spop (v2sf);
	(v2sf) =	vpush v13, $0x5  }
0x18c: {  	v23 =	vld [tilespmem:s21+$0x0];
	(v2sf) =	vpush v11, $0x4;
	s10 =	spop (v2sf)  }
0x18d: {  	v60 =	vbroadcast v8, $0x3;
	[tilespmem:s25+$0x0] =	vst.add.f32.msk $0xffff, v22;
	v21 =	vmul.f32 v21, v59;
	s21 =	spop (v2sf);
	(v2sf) =	vpush v19, $0x5  }
0x18e: {  	v22 =	vld [tilespmem:s21+$0x0];
	s2 =	spop (v2sf);
	(v2sf) =	vpush v17, $0x5  }
0x18f: {  	v61 =	vbroadcast v16, $0x3;
	v24 =	vmul.f32 v24, v60;
	[tilespmem:s14+$0x0] =	vst.add.f32.msk $0xffff, v21;
	(v2sf) =	vpush v12, $0x6;
	s25 =	spop (v2sf)  }
0x190: {  	v21 =	vld [tilespmem:s25+$0x0];
	s14 =	spop (v2sf);
	(v2sf) =	vpush v14, $0x6  }
0x191: {  	v62 =	vbroadcast v18, $0x3;
	v23 =	vmul.f32 v23, v61;
	[tilespmem:s10+$0x0] =	vst.add.f32.msk $0xffff, v24;
	s21 =	spop (v2sf);
	(v2sf) =	vpush v10, $0x5  }
0x192: {  	v24 =	vld [tilespmem:s2+$0x0];
	(v2sf) =	vpush v11, $0x5;
	s25 =	spop (v2sf)  }
0x193: {  	v63 =	vbroadcast v15, $0x4;
	[tilespmem:s21+$0x0] =	vst.add.f32.msk $0xffff, v23;
	v22 =	vmul.f32 v22, v62;
	s21 =	spop (v2sf);
	(v2sf) =	vpush v13, $0x6  }
0x194: {  	v23 =	vld [tilespmem:s25+$0x0];
	(v2sf) =	vpush v19, $0x6;
	s2 =	spop (v2sf)  }
0x195: {  	v28 =	vbroadcast v8, $0x4;
	[tilespmem:s21+$0x0] =	vst.add.f32.msk $0xffff, v22;
	v21 =	vmul.f32 v21, v63;
	s25 =	spop (v2sf);
	(v2sf) =	vpush v17, $0x6  }
0x196: {  	v22 =	vld [tilespmem:s25+$0x0];
	s10 =	spop (v2sf);
	(v2sf) =	vpush v12, $0x7  }
0x197: {  	v29 =	vbroadcast v16, $0x4;
	v24 =	vmul.f32 v24, v28;
	[tilespmem:s14+$0x0] =	vst.add.f32.msk $0xffff, v21;
	s21 =	spop (v2sf);
	(v2sf) =	vpush v9, $0x6  }
0x198: {  	v21 =	vld [tilespmem:s21+$0x0];
	s14 =	spop (v2sf);
	(v2sf) =	vpush v14, $0x7  }
0x199: {  	v30 =	vbroadcast v18, $0x4;
	v23 =	vmul.f32 v23, v29;
	[tilespmem:s2+$0x0] =	vst.add.f32.msk $0xffff, v24;
	s25 =	spop (v2sf);
	(v2sf) =	vpush v10, $0x6  }
0x19a: {  	v24 =	vld [tilespmem:s10+$0x0];
	(v2sf) =	vpush v11, $0x6;
	s21 =	spop (v2sf)  }
0x19b: {  	v31 =	vbroadcast v15, $0x5;
	[tilespmem:s25+$0x0] =	vst.add.f32.msk $0xffff, v23;
	v22 =	vmul.f32 v22, v30;
	s25 =	spop (v2sf);
	(v2sf) =	vpush v13, $0x7  }
0x19c: {  	v23 =	vld [tilespmem:s21+$0x0];
	s21 =	spop (v2sf);
	(v2sf) =	vpush v17, $0x7  }
0x19d: {  	v32 =	vbroadcast v8, $0x5;
	[tilespmem:s25+$0x0] =	vst.add.f32.msk $0xffff, v22;
	v21 =	vmul.f32 v21, v31;
	(v2sf) =	vpush v19, $0x7;
	s2 =	spop (v2sf)  }
0x19e: {  	v22 =	vld [tilespmem:s21+$0x0];
	s10 =	spop (v2sf);
	(v2sf) =	vpush v12, $0x8  }
0x19f: {  	v33 =	vbroadcast v16, $0x5;
	v24 =	vmul.f32 v24, v32;
	[tilespmem:s14+$0x0] =	vst.add.f32.msk $0xffff, v21;
	s25 =	spop (v2sf);
	(v2sf) =	vpush v9, $0x7  }
0x1a0: {  	v21 =	vld [tilespmem:s25+$0x0];
	(v2sf) =	vpush v14, $0x8;
	s21 =	spop (v2sf)  }
0x1a1: {  	v34 =	vbroadcast v18, $0x5;
	v23 =	vmul.f32 v23, v33;
	[tilespmem:s2+$0x0] =	vst.add.f32.msk $0xffff, v24;
	s2 =	spop (v2sf);
	(v2sf) =	vpush v10, $0x7  }
0x1a2: {  	v24 =	vld [tilespmem:s10+$0x0];
	(v2sf) =	vpush v11, $0x7;
	s25 =	spop (v2sf)  }
0x1a3: {  	v35 =	vbroadcast v15, $0x6;
	[tilespmem:s21+$0x0] =	vst.add.f32.msk $0xffff, v23;
	v22 =	vmul.f32 v22, v34;
	s21 =	spop (v2sf);
	(v2sf) =	vpush v13, $0x8  }
0x1a4: {  	v23 =	vld [tilespmem:s25+$0x0];
	(v2sf) =	vpush v19, $0x8;
	s10 =	spop (v2sf)  }
0x1a5: {  	v36 =	vbroadcast v8, $0x6;
	[tilespmem:s2+$0x0] =	vst.add.f32.msk $0xffff, v22;
	v21 =	vmul.f32 v21, v35;
	s2 =	spop (v2sf);
	(v2sf) =	vpush v17, $0x8  }
0x1a6: {  	v22 =	vld [tilespmem:s21+$0x0];
	(v2sf) =	vpush v12, $0x9;
	s25 =	spop (v2sf)  }
0x1a7: {  	v37 =	vbroadcast v16, $0x6;
	v24 =	vmul.f32 v24, v36;
	[tilespmem:s25+$0x0] =	vst.add.f32.msk $0xffff, v21;
	s21 =	spop (v2sf);
	(v2sf) =	vpush v9, $0x8  }
0x1a8: {  	v21 =	vld [tilespmem:s21+$0x0];
	(v2sf) =	vpush v14, $0x9;
	s25 =	spop (v2sf)  }
0x1a9: {  	v38 =	vbroadcast v18, $0x6;
	v23 =	vmul.f32 v23, v37;
	[tilespmem:s10+$0x0] =	vst.add.f32.msk $0xffff, v24;
	s10 =	spop (v2sf);
	(v2sf) =	vpush v10, $0x8  }
0x1aa: {  	v24 =	vld [tilespmem:s2+$0x0];
	(v2sf) =	vpush v11, $0x8;
	s21 =	spop (v2sf)  }
0x1ab: {  	v39 =	vbroadcast v15, $0x7;
	[tilespmem:s25+$0x0] =	vst.add.f32.msk $0xffff, v23;
	v22 =	vmul.f32 v22, v38;
	s14 =	spop (v2sf);
	(v2sf) =	vpush v13, $0x9  }
0x1ac: {  	v23 =	vld [tilespmem:s21+$0x0];
	s25 =	spop (v2sf);
	(v2sf) =	vpush v19, $0x9  }
0x1ad: {  	v40 =	vbroadcast v8, $0x7;
	[tilespmem:s10+$0x0] =	vst.add.f32.msk $0xffff, v22;
	v21 =	vmul.f32 v21, v39;
	s10 =	spop (v2sf);
	(v2sf) =	vpush v17, $0x9  }
0x1ae: {  	v22 =	vld [tilespmem:s25+$0x0];
	(v2sf) =	vpush v12, $0xA;
	s21 =	spop (v2sf)  }
0x1af: {  	v41 =	vbroadcast v16, $0x7;
	v24 =	vmul.f32 v24, v40;
	[tilespmem:s21+$0x0] =	vst.add.f32.msk $0xffff, v21;
	s25 =	spop (v2sf);
	(v2sf) =	vpush v9, $0x9  }
0x1b0: {  	v21 =	vld [tilespmem:s25+$0x0];
	(v2sf) =	vpush v14, $0xA;
	s21 =	spop (v2sf)  }
0x1b1: {  	v42 =	vbroadcast v18, $0x7;
	v23 =	vmul.f32 v23, v41;
	[tilespmem:s14+$0x0] =	vst.add.f32.msk $0xffff, v24;
	s14 =	spop (v2sf)  }
0x1b2: {  	(v2sf) =	vpush v10, $0x9;
	v24 =	vld [tilespmem:s10+$0x0];
	s25 =	spop (v2sf)  }
0x1b3: {  	v43 =	vbroadcast v15, $0x8;
	(v2sf) =	vpush v11, $0x9;
	[tilespmem:s21+$0x0] =	vst.add.f32.msk $0xffff, v23;
	v22 =	vmul.f32 v22, v42;
	s21 =	spop (v2sf)  }
0x1b4: {  	(v2sf) =	vpush v13, $0xA;
	v23 =	vld [tilespmem:s25+$0x0];
	s10 =	spop (v2sf)  }
0x1b5: {  	v44 =	vbroadcast v8, $0x8;
	(v2sf) =	vpush v19, $0xA;
	[tilespmem:s14+$0x0] =	vst.add.f32.msk $0xffff, v22;
	v21 =	vmul.f32 v21, v43;
	s14 =	spop (v2sf)  }
0x1b6: {  	(v2sf) =	vpush v17, $0xA;
	v22 =	vld [tilespmem:s21+$0x0];
	s25 =	spop (v2sf)  }
0x1b7: {  	v45 =	vbroadcast v16, $0x8;
	(v2sf) =	vpush v12, $0xB;
	v24 =	vmul.f32 v24, v44;
	[tilespmem:s25+$0x0] =	vst.add.f32.msk $0xffff, v21;
	s21 =	spop (v2sf)  }
0x1b8: {  	(v2sf) =	vpush v9, $0xA;
	v21 =	vld [tilespmem:s21+$0x0];
	s25 =	spop (v2sf)  }
0x1b9: {  	v46 =	vbroadcast v18, $0x8;
	(v2sf) =	vpush v14, $0xB;
	v23 =	vmul.f32 v23, v45;
	[tilespmem:s10+$0x0] =	vst.add.f32.msk $0xffff, v24;
	s10 =	spop (v2sf)  }
0x1ba: {  	(v2sf) =	vpush v10, $0xA;
	v24 =	vld [tilespmem:s14+$0x0];
	s21 =	spop (v2sf)  }
0x1bb: {  	v47 =	vbroadcast v15, $0x9;
	(v2sf) =	vpush v11, $0xA;
	[tilespmem:s25+$0x0] =	vst.add.f32.msk $0xffff, v23;
	v22 =	vmul.f32 v22, v46;
	s25 =	spop (v2sf)  }
0x1bc: {  	(v2sf) =	vpush v13, $0xB;
	v23 =	vld [tilespmem:s21+$0x0];
	s14 =	spop (v2sf)  }
0x1bd: {  	v48 =	vbroadcast v8, $0x9;
	(v2sf) =	vpush v19, $0xB;
	[tilespmem:s10+$0x0] =	vst.add.f32.msk $0xffff, v22;
	v21 =	vmul.f32 v21, v47;
	s10 =	spop (v2sf)  }
0x1be: {  	(v2sf) =	vpush v17, $0xB;
	v22 =	vld [tilespmem:s25+$0x0];
	s21 =	spop (v2sf)  }
0x1bf: {  	v49 =	vbroadcast v16, $0x9;
	(v2sf) =	vpush v12, $0xC;
	v24 =	vmul.f32 v24, v48;
	[tilespmem:s21+$0x0] =	vst.add.f32.msk $0xffff, v21;
	s25 =	spop (v2sf)  }
0x1c0: {  	(v2sf) =	vpush v9, $0xB;
	v21 =	vld [tilespmem:s25+$0x0]  }
0x1c1: {  	v50 =	vbroadcast v18, $0x9;
	s21 =	spop (v2sf);
	v23 =	vmul.f32 v23, v49;
	[tilespmem:s14+$0x0] =	vst.add.f32.msk $0xffff, v24  }
0x1c2: {  	(v2sf) =	vpush v14, $0xC;
	s14 =	spop (v2sf);
	v24 =	vld [tilespmem:s10+$0x0]  }
0x1c3: {  	(v2sf) =	vpush v10, $0xB;
	s25 =	spop (v2sf);
	[tilespmem:s21+$0x0] =	vst.add.f32.msk $0xffff, v23;
	v22 =	vmul.f32 v22, v50  }
0x1c4: {  	v51 =	vbroadcast v15, $0xA;
	(v2sf) =	vpush v11, $0xB;
	s21 =	spop (v2sf);
	v52 =	vld [tilespmem:s25+$0x0]  }
0x1c5: {  	(v2sf) =	vpush v13, $0xC;
	s10 =	spop (v2sf);
	[tilespmem:s14+$0x0] =	vst.add.f32.msk $0xffff, v22  }
0x1c6: {  	v53 =	vbroadcast v8, $0xA;
	(v2sf) =	vpush v19, $0xC;
	v21 =	vmul.f32 v21, v51;
	s14 =	spop (v2sf);
	v54 =	vld [tilespmem:s21+$0x0]  }
0x1c7: {  	v34 =	vld [tilespmem:s0+$0x0];
	(v2sf) =	vpush v17, $0xC;
	s25 =	spop (v2sf)  }
0x1c8: {  	v55 =	vbroadcast v16, $0xA;
	(v2sf) =	vpush v12, $0xD;
	v22 =	vmul.f32 v24, v53;
	[tilespmem:s25+$0x0] =	vst.add.f32.msk $0xffff, v21;
	s21 =	spop (v2sf)  }
0x1c9: {  	v56 =	vbroadcast v18, $0xA;
	(v2sf) =	vpush v9, $0xC;
	v21 =	vld [tilespmem:s21+$0x0];
	s25 =	spop (v2sf)  }
0x1ca: {  	v57 =	vmul.f32 v52, v55;
	[tilespmem:s10+$0x0] =	vst.add.f32.msk $0xffff, v22;
	s10 =	spop (v2sf)  }
0x1cb: {  	(v2sf) =	vpush v14, $0xD;
	v58 =	vld [tilespmem:s14+$0x0];
	s21 =	spop (v2sf);
	v23 =	vmul.f32 v54, v56  }
0x1cc: {  	[tilespmem:s25+$0x0] =	vst.add.f32.msk $0xffff, v57;
	(v2sf) =	vpush v10, $0xC;
	s25 =	spop (v2sf)  }
0x1cd: {  	v59 =	vbroadcast v15, $0xB;
	(v2sf) =	vpush v11, $0xC;
	[tilespmem:s10+$0x0] =	vst.add.f32.msk $0xffff, v23;
	s10 =	spop (v2sf)  }
0x1ce: {  	v60 =	vbroadcast v8, $0xB;
	v37 =	vld [tilespmem:s31+$0x0];
	s14 =	spop (v2sf);
	(v2sf) =	vpush v13, $0xD  }
0x1cf: {  	v61 =	vld [tilespmem:s21+$0x0];
	v21 =	vmul.f32 v21, v59;
	s21 =	spop (v2sf);
	(v2sf) =	vpush v19, $0xD  }
0x1d0: {  	v62 =	vld [tilespmem:s25+$0x0];
	v22 =	vmul.f32 v58, v60;
	(v2sf) =	vpush v17, $0xD  }
0x1d1: {  	v7 =	vbroadcast v7, $0xF;
	[tilespmem:s21+$0x0] =	vst.add.f32.msk $0xffff, v21;
	s25 =	spop (v2sf);
	(v2sf) =	vpush v12, $0xE  }
0x1d2: {  	v63 =	vbroadcast v16, $0xB;
	[tilespmem:s10+$0x0] =	vst.add.f32.msk $0xffff, v22;
	s10 =	spop (v2sf);
	(v2sf) =	vpush v9, $0xD  }
0x1d3: {  	v28 =	vbroadcast v18, $0xB;
	v7 =	vmul.f32 v34, v7;
	v29 =	vld [tilespmem:s14+$0x0];
	s21 =	spop (v2sf);
	(v2sf) =	vpush v14, $0xE  }
0x1d4: {  	v23 =	vmul.f32 v61, v63;
	v21 =	vld [tilespmem:s25+$0x0];
	s24 =	spop (v2sf);
	(v2sf) =	vpush v9, $0xF  }
0x1d5: {  	[tilespmem:s29+$0x0] =	vst.add.f32.msk $0xffff, v7;
	v30 =	vmul.f32 v62, v28;
	s2 =	spop (v2sf);
	(v2sf) =	vpush v10, $0xF  }
0x1d6: {  	v32 =	vbroadcast v8, $0xC;
	[tilespmem:s10+$0x0] =	vst.add.f32.msk $0xffff, v23;
	s25 =	spop (v2sf);
	(v2sf) =	vpush v13, $0xE  }
0x1d7: {  	v31 =	vbroadcast v15, $0xC;
	[tilespmem:s21+$0x0] =	vst.add.f32.msk $0xffff, v30;
	s21 =	spop (v2sf);
	(v2sf) =	vpush v10, $0xD  }
0x1d8: {  	v33 =	vld [tilespmem:s24+$0x0];
	v20 =	vmul.f32 v29, v32;
	s24 =	spop (v2sf);
	(v2sf) =	vpush v11, $0xD  }
0x1d9: {  	v21 =	vmul.f32 v21, v31;
	v36 =	vld [tilespmem:s2+$0x0];
	(v2sf) =	vpush v19, $0xE  }
0x1da: {  	[tilespmem:s25+$0x0] =	vst.add.f32.msk $0xffff, v20;
	s25 =	spop (v2sf);
	(v2sf) =	vpush v11, $0xF  }
0x1db: {  	v35 =	vbroadcast v16, $0xC;
	[tilespmem:s24+$0x0] =	vst.add.f32.msk $0xffff, v21;
	s31 =	spop (v2sf);
	(v2sf) =	vpush v10, $0xE  }
0x1dc: {  	v40 =	vld [tilespmem:s21+$0x0];
	s10 =	spop (v2sf);
	(v2sf) =	vpush v17, $0xE  }
0x1dd: {  	v39 =	vbroadcast v18, $0xC;
	v20 =	vmul.f32 v33, v35;
	v38 =	vld [tilespmem:s25+$0x0];
	(v2sf) =	vpush v14, $0xF;
	s24 =	spop (v2sf)  }
0x1de: {  	v41 =	vld [tilespmem:s30+$0x0];
	(v2sf) =	vpush v9, $0xE;
	s25 =	spop (v2sf)  }
0x1df: {  	v44 =	vbroadcast v8, $0xD;
	[tilespmem:s31+$0x0] =	vst.add.f32.msk $0xffff, v20;
	v14 =	vmul.f32 v36, v39;
	s31 =	spop (v2sf)  }
0x1e0: {  	v42 =	vbroadcast v15, $0xD;
	v43 =	vld [tilespmem:s24+$0x0];
	s21 =	spop (v2sf)  }
0x1e1: {  	(v2sf) =	vpush v12, $0xF;
	[tilespmem:s10+$0x0] =	vst.add.f32.msk $0xffff, v14;
	v9 =	vmul.f32 v40, v44;
	s24 =	spop (v2sf)  }
0x1e2: {  	v12 =	vmul.f32 v38, v42;
	(v2sf) =	vpush v13, $0xF;
	v45 =	vld [tilespmem:s25+$0x0];
	s25 =	spop (v2sf)  }
0x1e3: {  	v46 =	vbroadcast v16, $0xD;
	(v2sf) =	vpush v11, $0xE;
	[tilespmem:s31+$0x0] =	vst.add.f32.msk $0xffff, v9;
	s0 =	spop (v2sf)  }
0x1e4: {  	[tilespmem:s24+$0x0] =	vst.add.f32.msk $0xffff, v12;
	(v2sf) =	vpush v19, $0xF;
	s10 =	spop (v2sf)  }
0x1e5: {  	v5 =	vbroadcast v5, $0xF;
	v49 =	vld [tilespmem:s21+$0x0];
	v48 =	vmul.f32 v43, v46;
	s30 =	spop (v2sf)  }
0x1e6: {  	v12 =	vld [tilespmem:s25+$0x0];
	s31 =	spop (v2sf)  }
0x1e7: {  	v5 =	vmul.f32 v41, v5;
	v47 =	vbroadcast v18, $0xD;
	[tilespmem:s31+$0x0] =	vst.add.f32.msk $0xffff, v48;
	s21 =	spop (v2sf)  }
0x1e8: {  	v9 =	vld [tilespmem:s30+$0x0];
	s24 =	spop (v2sf)  }
0x1e9: {  	[tilespmem:s26+$0x0] =	vst.add.f32.msk $0xffff, v5;
	v50 =	vbroadcast v8, $0xE;
	v11 =	vmul.f32 v45, v47;
	s2 =	spop (v2sf)  }
0x1ea: {  	v51 =	vbroadcast v15, $0xE;
	v53 =	vld [tilespmem:s23+$0x0];
	(v2sf) =	vpush v17, $0xF;
	s14 =	spop (v2sf)  }
0x1eb: {  	v54 =	vbroadcast v16, $0xE;
	v13 =	vmul.f32 v49, v50;
	[tilespmem:s21+$0x0] =	vst.add.f32.msk $0xffff, v11;
	s25 =	spop (v2sf)  }
0x1ec: {  	v55 =	vmul.f32 v12, v51;
	v52 =	vld [tilespmem:s24+$0x0];
	s30 =	spop (v2sf)  }
0x1ed: {  	[tilespmem:s25+$0x0] =	vst.add.f32.msk $0xffff, v13;
	v9 =	vmul.f32 v9, v54;
	s31 =	spop (v2sf)  }
0x1ee: {  	[tilespmem:s31+$0x0] =	vst.add.f32.msk $0xffff, v55  }
0x1ef: {  	v56 =	vbroadcast v18, $0xE;
	[tilespmem:s14+$0x0] =	vst.add.f32.msk $0xffff, v9  }
0x1f0: {  	s24 =	spop (v2sf);
	v58 =	vld [tilespmem:s30+$0x0]  }
0x1f1: {  	v57 =	vmul.f32 v52, v56;
	s25 =	spop (v2sf);
	v13 =	vld [tilespmem:s24+$0x0]  }
0x1f2: {  	v4 =	vbroadcast v4, $0xF;
	v9 =	vld [tilespmem:s25+$0x0];
	s29 =	spop (v2sf)  }
0x1f3: {  	v6 =	vbroadcast v6, $0xF;
	[tilespmem:s29+$0x0] =	vst.add.f32.msk $0xffff, v57;
	s30 =	spop (v2sf)  }
0x1f4: {  	v4 =	vmul.f32 v37, v4;
	v5 =	vbroadcast v15, $0xF;
	v59 =	vld [tilespmem:s30+$0x0]  }
0x1f5: {  	s18 =	sadd.s32 $0x1, s18;
	v6 =	vmul.f32 v53, v6;
	v60 =	vbroadcast v16, $0xF  }
0x1f6: {  	p0 =	slt.s32 s18, s19;
	[tilespmem:s22+$0x0] =	vst.add.f32.msk $0xffff, v4;
	v4 =	vbroadcast v8, $0xF;
	v5 =	vmul.f32 v58, v5  }
.Ltmp4:
0x1f7: {  	[tilespmem:s28+$0x0] =	vst.add.f32.msk $0xffff, v6;
	v62 =	vbroadcast v18, $0xF;
	v61 =	vmul.f32 v9, v60;
	(pc) =	sbr.rel @p0 .LBB2_3-.Ltmp4, $4  }
.Ltmp5:
0x1f8: {  	v4 =	vmul.f32 v13, v4;
	[tilespmem:s0+$0x0] =	vst.add.f32.msk $0xffff, v5;
	(pc) =	sbr.rel @!p0 .LBB2_6-.Ltmp5, $4  }
0x1f9: {  	s31 =	spop (v2sf);
	[tilespmem:s10+$0x0] =	vst.add.f32.msk $0xffff, v61;
	v63 =	vmul.f32 v59, v62  }
0x1fa: {  	[tilespmem:s31+$0x0] =	vst.add.f32.msk $0xffff, v4  }
0x1fb: {  	s20 =	sadd.s32 $0x1000, s20;
	[tilespmem:s2+$0x0] =	vst.add.f32.msk $0xffff, v63  }
0x1fc: {  	_ = 	snop  }
.LBB2_7:
0x1fd: {  	_ =	sfence.sel $0x180000  }
0x1fe: {  	[bflag:$0x0] =	sbarrier.arrive $0xFFFF  }
0x1ff: {  	_ =	strace $0x90000047  }
0x200: {  	s0 =	stileid.u32;
	[bflag:$0x2] =	sbarrier.arrive $0xFFFF  }
0x201: {  	p0 =	sne.s32 s0, $0x0;
	s0 =	rddreg [dreg:$0x2]  }
0x202: {  	s0 =	sadd.s32 @!p0 $0x100000, s0  }
0x203: {  	[sflag:s0] =	ssyncadd.tile.s32 @!p0 $0x1;
	_ =	shalt  }
.Lfunc_end2:
_tile_overlayer_lowered:
.L_overlay_start_2:
0x204: {  	(tag) =	ssettag $0x2  }
0x205: {  	s0 =	rddreg [dreg:$0x0];
	s2 =	stileid.u32  }
0x206: {  	s1 =	rddreg [dreg:$0x1];
	p0 =	sne.s32 s2, $0x0  }
0x207: {  	s3 =	rddreg [dreg:$0x2];
	[bflag:$0x3] =	sbarrier.arrive $0xFFFF;
	s2 =	simm.s32 @!p0 $0x1C01  }
0x208: {  	[timem:s3], [sflag:s2] =	dma.local @!p0 [hbm:s0], s1  }
0x209: {  	s0 =	simm.s32 @!p0 $0x1  }
0x20a: {  	_ =	swait.ge @!p0 [sflag:s0], s1  }
0x20b: {  	s1 =	ssub.s32 @!p0 $0x0, s1;
	[sflag:s0] =	ssyncset.done @!p0 $0x0  }
0x20c: {  	[sflag:s0] =	ssyncadd.s32 @!p0 s1  }
0x20d: {  	[bflag:$0x3] =	sbarrier.arrive $0xFFFF  }
0x20e: {  	_ =	shalt  }

</sc_bundles>
